<compile_context>
chip_gen: v7x
topology: tpu7x:2x2x1
jax: 0.10.2.dev20260603
libtpu: 0.0.44.dev20260713+nightly
codegen_flags: <defaults>
</compile_context>

<pallas_src>
import functools

import jax
import jax.numpy as jnp
from jax import lax
from jax.experimental import pallas as pl
from jax.experimental.pallas import tpu as pltpu
from jax.experimental.pallas import tpu_sc as plsc

HID_W = 64
HID_P = 32
HID_S = 32
HID = HID_W + HID_P + HID_S

GRP = 128
SUP = 8
NSUB = 16
NCORE = 2
LANES = 16


def _make_kernel(n_tokens: int, n_shape: int):
    nw = NSUB * NCORE
    per_w = n_tokens // nw
    n_grp = per_w // GRP
    nset = 4
    n_quad = n_grp // nset
    n_chunk = n_grp // SUP

    mesh = plsc.VectorSubcoreMesh(core_axis_name="c", subcore_axis_name="s")

    @functools.partial(
        pl.kernel,
        mesh=mesh,
        out_type=jax.ShapeDtypeStruct((n_tokens, HID), jnp.float32),
        scratch_types=[
            pltpu.VMEM((n_grp, GRP), jnp.int32),
            pltpu.VMEM((n_grp, GRP), jnp.int32),
            pltpu.VMEM((SUP, GRP), jnp.int32),
        ] + [pltpu.VMEM((GRP, HID), jnp.float32)] * 4
          + [pltpu.SemaphoreType.DMA] * 4
          + [pltpu.SemaphoreType.DMA] * 4
          + [pltpu.SemaphoreType.DMA] * 4,
        compiler_params=pltpu.CompilerParams(needs_layout_passes=False),
    )
    def k(word_hbm, ps_hbm, catid_hbm, posid_hbm, shpid_hbm,
          out_hbm, idw, idf, tmp, *sets):
        bufs = sets[0:4]
        gw = sets[4:8]
        gp = sets[8:12]
        ss = sets[12:16]
        cid = lax.axis_index("c")
        sid = lax.axis_index("s")
        wid = sid * NCORE + cid
        row0 = wid * n_grp
        base0 = wid * per_w

        pltpu.sync_copy(catid_hbm.at[pl.ds(row0, n_grp)], idw)
        pltpu.sync_copy(posid_hbm.at[pl.ds(row0, n_grp)], idf)

        def fuse(c, _):
            pltpu.sync_copy(shpid_hbm.at[pl.ds(row0 + c * SUP, SUP)], tmp)
            for r in range(SUP):
                for g in range(GRP // LANES):
                    sl = pl.ds(g * LANES, LANES)
                    idf[c * SUP + r, sl] = (
                        idf[c * SUP + r, sl] * n_shape + tmp[r, sl])
            return ()

        lax.fori_loop(0, n_chunk, fuse, (), unroll=False)

        def wgather(j, buf, sem):
            pltpu.async_copy(word_hbm.at[idw.at[j]], buf, sem)

        def pgather(j, buf, sem):
            pltpu.async_copy(ps_hbm.at[idf.at[j]], buf, sem, add=True)

        def gwait(src, buf, sem):
            pltpu.make_async_copy(src.at[pl.ds(0, GRP)], buf, sem).wait()

        def store(j, buf, sem):
            pltpu.async_copy(buf, out_hbm.at[pl.ds(base0 + j * GRP, GRP)],
                             sem)

        def swait(j, buf, sem):
            pltpu.make_async_copy(buf,
                                  out_hbm.at[pl.ds(base0 + j * GRP, GRP)],
                                  sem).wait()

        for i in range(4):
            wgather(i, bufs[i], gw[i])

        def body(m, _):
            j0 = 4 * m
            for i in range(4):
                gwait(word_hbm, bufs[i], gw[i])
                pgather(j0 + i, bufs[i], gp[i])
            for i in range(4):
                gwait(ps_hbm, bufs[i], gp[i])
                store(j0 + i, bufs[i], ss[i])
            for i in range(4):
                swait(j0 + i, bufs[i], ss[i])

                @pl.when(m < n_quad - 1)
                def _(i=i):
                    wgather(j0 + i + 4, bufs[i], gw[i])

            return ()

        lax.fori_loop(0, n_quad, body, (), unroll=False)

    return k


def kernel(word_table, pos_table, shape_table, cat_ids, position_ids, shape_ids):
    b, l = cat_ids.shape
    n = b * l
    n_pos = pos_table.shape[0]
    n_shape = shape_table.shape[0]
    vocab, hw = word_table.shape
    word_pad = jnp.concatenate(
        [word_table, jnp.zeros((vocab, HID - hw), word_table.dtype)], axis=1)
    ps_tab = jnp.concatenate(
        [jnp.zeros((n_pos * n_shape, HID_W), jnp.float32),
         jnp.repeat(pos_table, n_shape, axis=0),
         jnp.tile(shape_table, (n_pos, 1))], axis=1)
    cat2d = cat_ids.reshape(n // GRP, GRP).astype(jnp.int32)
    pos2d = position_ids.reshape(n // GRP, GRP).astype(jnp.int32)
    shp2d = shape_ids.reshape(n // GRP, GRP).astype(jnp.int32)
    k = _make_kernel(n, n_shape)
    out = k(word_pad, ps_tab, cat2d, pos2d, shp2d)
    return out.reshape(b, l, HID)

# --- scband reference (transcript-rebuilt; emitter-appended) ---
"""Pipeline reference for scband-concat-embeddings-14070312861825 (READ-ONLY COPY).

The authoritative reference and input builder live on the scoring server;
editing this copy changes nothing except your own understanding.
"""

import jax, jax.numpy as jnp
import numpy as np

VOCAB = 100000
MAX_POS = 200
MAX_SHAPE = 68
HIDDEN = 128
B, L = 4096, 200


def setup_inputs(seed: int = 0) -> dict:
    key = jax.random.key(seed)
    k1, k2, k3, k4, k5, k6 = jax.random.split(key, 6)
    word_table = jax.random.normal(k1, (VOCAB, HIDDEN // 2), dtype=jnp.float32) * 0.02
    # padding_idx=0 -> row 0 is zeros
    word_table = word_table.at[0].set(0.0)
    pos_table = jax.random.normal(k2, (MAX_POS, HIDDEN // 4), dtype=jnp.float32) * 0.02
    shape_table = jax.random.normal(k3, (MAX_SHAPE, HIDDEN // 4), dtype=jnp.float32) * 0.02
    cat_ids = jax.random.randint(k4, (B, L), 0, VOCAB, dtype=jnp.int64 if jax.config.jax_enable_x64 else jnp.int32)
    position_ids = jax.random.randint(k5, (B, L), 0, MAX_POS, dtype=jnp.int64 if jax.config.jax_enable_x64 else jnp.int32)
    shape_ids = jax.random.randint(k6, (B, L), 0, MAX_SHAPE, dtype=jnp.int64 if jax.config.jax_enable_x64 else jnp.int32)
    return {
        "word_table": word_table,
        "pos_table": pos_table,
        "shape_table": shape_table,
        "cat_ids": cat_ids,
        "position_ids": position_ids,
        "shape_ids": shape_ids,
    }


def reference(word_table, pos_table, shape_table, cat_ids, position_ids, shape_ids):
    inputs_embeds = jnp.take(word_table, cat_ids, axis=0)
    position_embeddings = jnp.take(pos_table, position_ids, axis=0)
    shape_embeddings = jnp.take(shape_table, shape_ids, axis=0)
    embeddings = jnp.concatenate([inputs_embeds, position_embeddings, shape_embeddings], axis=2)
    # dropout is identity at inference
    return embeddings

if __name__ == "__main__":
    import jax
    _d = setup_inputs()
    print(jax.jit(kernel)(*tuple(_d.values())))

</pallas_src>

<mosaic_0001>
#map = affine_map<(d0, d1) -> (0, 0)>
module attributes {stable_mosaic.version = 14 : i64} {
  func.func @k(%arg0: i32, %arg1: i32, %arg2: memref<100000x128xf32, #tpu.memory_space<hbm>>, %arg3: memref<13600x128xf32, #tpu.memory_space<hbm>>, %arg4: memref<6400x128xi32, #tpu.memory_space<hbm>>, %arg5: memref<6400x128xi32, #tpu.memory_space<hbm>>, %arg6: memref<6400x128xi32, #tpu.memory_space<hbm>>, %arg7: memref<819200x128xf32, #tpu.memory_space<hbm>>, %arg8: memref<200x128xi32, #tpu.memory_space<vmem>>, %arg9: memref<200x128xi32, #tpu.memory_space<vmem>>, %arg10: memref<8x128xi32, #tpu.memory_space<vmem>>, %arg11: memref<128x128xf32, #tpu.memory_space<vmem>>, %arg12: memref<128x128xf32, #tpu.memory_space<vmem>>, %arg13: memref<128x128xf32, #tpu.memory_space<vmem>>, %arg14: memref<128x128xf32, #tpu.memory_space<vmem>>, %arg15: memref<!tpu.dma_semaphore, #tpu.memory_space<semaphore_mem>>, %arg16: memref<!tpu.dma_semaphore, #tpu.memory_space<semaphore_mem>>, %arg17: memref<!tpu.dma_semaphore, #tpu.memory_space<semaphore_mem>>, %arg18: memref<!tpu.dma_semaphore, #tpu.memory_space<semaphore_mem>>, %arg19: memref<!tpu.dma_semaphore, #tpu.memory_space<semaphore_mem>>, %arg20: memref<!tpu.dma_semaphore, #tpu.memory_space<semaphore_mem>>, %arg21: memref<!tpu.dma_semaphore, #tpu.memory_space<semaphore_mem>>, %arg22: memref<!tpu.dma_semaphore, #tpu.memory_space<semaphore_mem>>, %arg23: memref<!tpu.dma_semaphore, #tpu.memory_space<semaphore_mem>>, %arg24: memref<!tpu.dma_semaphore, #tpu.memory_space<semaphore_mem>>, %arg25: memref<!tpu.dma_semaphore, #tpu.memory_space<semaphore_mem>>, %arg26: memref<!tpu.dma_semaphore, #tpu.memory_space<semaphore_mem>>) attributes {dimension_semantics = [#tpu.dimension_semantics<core_parallel>, #tpu.dimension_semantics<subcore_parallel>], iteration_bounds = array<i64: 2, 16>, scalar_prefetch = 0 : i64, scratch_operands = 19 : i64, tpu.core_type = #tpu.core_type<sc_vector_subcore>, window_params = [{transform_indices = #map}, {transform_indices = #map}, {transform_indices = #map}, {transform_indices = #map}, {transform_indices = #map}, {transform_indices = #map}]} {
    %mul3A = arith.constant 2 : i32
    %mul3A_0 = arith.muli %arg1, %mul3A : i32
    %add3A = arith.addi %mul3A_0, %arg0 : i32
    %mul3A_1 = arith.constant 200 : i32
    %mul3A_2 = arith.muli %add3A, %mul3A_1 : i32
    %mul3A_3 = arith.constant 25600 : i32
    %mul3A_4 = arith.muli %add3A, %mul3A_3 : i32
    "tpu.region"() ({
      %run_scoped3A = tpu.sem_alloc : memref<!tpu.dma_semaphore, #tpu.memory_space<semaphore_mem>>
      %dma_start3A_41 = arith.constant 0 : i32
      %dma_start3A_42 = tpu.memref_slice %arg4[%mul3A_2, %dma_start3A_41] : memref<6400x128xi32, #tpu.memory_space<hbm>> -> memref<200x128xi32, #tpu.memory_space<hbm>>
      %dma_start3A_43 = arith.constant 0 : i32
      %dma_start3A_44 = tpu.memref_slice %arg4[%mul3A_2, %dma_start3A_43] : memref<6400x128xi32, #tpu.memory_space<hbm>> -> memref<200x128xi32, #tpu.memory_space<hbm>>
      tpu.enqueue_dma source(%dma_start3A_44 : memref<200x128xi32, #tpu.memory_space<hbm>>) target(%arg8 : memref<200x128xi32, #tpu.memory_space<vmem>>) target_semaphore(%run_scoped3A : memref<!tpu.dma_semaphore, #tpu.memory_space<semaphore_mem>>)
      %dma_wait3A = arith.constant 0 : i32
      %dma_wait3A_45 = tpu.memref_slice %arg4[%mul3A_2, %dma_wait3A] : memref<6400x128xi32, #tpu.memory_space<hbm>> -> memref<200x128xi32, #tpu.memory_space<hbm>>
      %dma_wait3A_46 = arith.constant 0 : i32
      %dma_wait3A_47 = tpu.memref_slice %arg4[%mul3A_2, %dma_wait3A_46] : memref<6400x128xi32, #tpu.memory_space<hbm>> -> memref<200x128xi32, #tpu.memory_space<hbm>>
      tpu.wait_dma2 semaphore(%run_scoped3A : memref<!tpu.dma_semaphore, #tpu.memory_space<semaphore_mem>>) src(%dma_wait3A_47 : memref<200x128xi32, #tpu.memory_space<hbm>>) dst(%arg8 : memref<200x128xi32, #tpu.memory_space<vmem>>)
      tpu.yield
    }) : () -> ()
    "tpu.region"() ({
      %run_scoped3A = tpu.sem_alloc : memref<!tpu.dma_semaphore, #tpu.memory_space<semaphore_mem>>
      %dma_start3A_41 = arith.constant 0 : i32
      %dma_start3A_42 = tpu.memref_slice %arg5[%mul3A_2, %dma_start3A_41] : memref<6400x128xi32, #tpu.memory_space<hbm>> -> memref<200x128xi32, #tpu.memory_space<hbm>>
      %dma_start3A_43 = arith.constant 0 : i32
      %dma_start3A_44 = tpu.memref_slice %arg5[%mul3A_2, %dma_start3A_43] : memref<6400x128xi32, #tpu.memory_space<hbm>> -> memref<200x128xi32, #tpu.memory_space<hbm>>
      tpu.enqueue_dma source(%dma_start3A_44 : memref<200x128xi32, #tpu.memory_space<hbm>>) target(%arg9 : memref<200x128xi32, #tpu.memory_space<vmem>>) target_semaphore(%run_scoped3A : memref<!tpu.dma_semaphore, #tpu.memory_space<semaphore_mem>>)
      %dma_wait3A = arith.constant 0 : i32
      %dma_wait3A_45 = tpu.memref_slice %arg5[%mul3A_2, %dma_wait3A] : memref<6400x128xi32, #tpu.memory_space<hbm>> -> memref<200x128xi32, #tpu.memory_space<hbm>>
      %dma_wait3A_46 = arith.constant 0 : i32
      %dma_wait3A_47 = tpu.memref_slice %arg5[%mul3A_2, %dma_wait3A_46] : memref<6400x128xi32, #tpu.memory_space<hbm>> -> memref<200x128xi32, #tpu.memory_space<hbm>>
      tpu.wait_dma2 semaphore(%run_scoped3A : memref<!tpu.dma_semaphore, #tpu.memory_space<semaphore_mem>>) src(%dma_wait3A_47 : memref<200x128xi32, #tpu.memory_space<hbm>>) dst(%arg9 : memref<200x128xi32, #tpu.memory_space<vmem>>)
      tpu.yield
    }) : () -> ()
    %scan3A = arith.constant 0 : i32
    %scan3A_5 = arith.constant 25 : i32
    %scan3A_6 = arith.addi %scan3A, %scan3A_5 : i32
    %scan3A_7 = arith.constant 1 : i32
    scf.for %scan3A_41 = %scan3A to %scan3A_6 step %scan3A_7  : i32 {
      %mul3A_42 = arith.constant 8 : i32
      %mul3A_43 = arith.muli %scan3A_41, %mul3A_42 : i32
      %add3A_44 = arith.addi %mul3A_2, %mul3A_43 : i32
      "tpu.region"() ({
        %run_scoped3A = tpu.sem_alloc : memref<!tpu.dma_semaphore, #tpu.memory_space<semaphore_mem>>
        %dma_start3A_1451 = arith.constant 0 : i32
        %dma_start3A_1452 = tpu.memref_slice %arg6[%add3A_44, %dma_start3A_1451] : memref<6400x128xi32, #tpu.memory_space<hbm>> -> memref<8x128xi32, #tpu.memory_space<hbm>>
        %dma_start3A_1453 = arith.constant 0 : i32
        %dma_start3A_1454 = tpu.memref_slice %arg6[%add3A_44, %dma_start3A_1453] : memref<6400x128xi32, #tpu.memory_space<hbm>> -> memref<8x128xi32, #tpu.memory_space<hbm>>
        tpu.enqueue_dma source(%dma_start3A_1454 : memref<8x128xi32, #tpu.memory_space<hbm>>) target(%arg10 : memref<8x128xi32, #tpu.memory_space<vmem>>) target_semaphore(%run_scoped3A : memref<!tpu.dma_semaphore, #tpu.memory_space<semaphore_mem>>)
        %dma_wait3A = arith.constant 0 : i32
        %dma_wait3A_1455 = tpu.memref_slice %arg6[%add3A_44, %dma_wait3A] : memref<6400x128xi32, #tpu.memory_space<hbm>> -> memref<8x128xi32, #tpu.memory_space<hbm>>
        %dma_wait3A_1456 = arith.constant 0 : i32
        %dma_wait3A_1457 = tpu.memref_slice %arg6[%add3A_44, %dma_wait3A_1456] : memref<6400x128xi32, #tpu.memory_space<hbm>> -> memref<8x128xi32, #tpu.memory_space<hbm>>
        tpu.wait_dma2 semaphore(%run_scoped3A : memref<!tpu.dma_semaphore, #tpu.memory_space<semaphore_mem>>) src(%dma_wait3A_1457 : memref<8x128xi32, #tpu.memory_space<hbm>>) dst(%arg10 : memref<8x128xi32, #tpu.memory_space<vmem>>)
        tpu.yield
      }) : () -> ()
      %mul3A_45 = arith.constant 8 : i32
      %mul3A_46 = arith.muli %scan3A_41, %mul3A_45 : i32
      %add3A_47 = arith.constant 0 : i32
      %add3A_48 = arith.addi %mul3A_46, %add3A_47 : i32
      %get3A = arith.index_cast %add3A_48 : i32 to index
      %get3A_49 = arith.constant 0 : index
      %get3A_50 = tpu.vector_load %arg9[%get3A, %get3A_49] {strides = array<i32>} : memref<200x128xi32, #tpu.memory_space<vmem>>, vector<16xi32>,
      %mul3A_51 = arith.constant 68 : i32
      %mul3A_52 = vector.broadcast %mul3A_51 : i32 to vector<16xi32>
      %mul3A_53 = arith.muli %get3A_50, %mul3A_52 : vector<16xi32>
      %get3A_54 = arith.constant 0 : i32
      %get3A_55 = arith.index_cast %get3A_54 : i32 to index
      %get3A_56 = arith.constant 0 : index
      %get3A_57 = tpu.vector_load %arg10[%get3A_55, %get3A_56] {strides = array<i32>} : memref<8x128xi32, #tpu.memory_space<vmem>>, vector<16xi32>,
      %add3A_58 = arith.addi %mul3A_53, %get3A_57 : vector<16xi32>
      %mul3A_59 = arith.constant 8 : i32
      %mul3A_60 = arith.muli %scan3A_41, %mul3A_59 : i32
      %add3A_61 = arith.constant 0 : i32
      %add3A_62 = arith.addi %mul3A_60, %add3A_61 : i32
      %swap3A = arith.index_cast %add3A_62 : i32 to index
      %swap3A_63 = arith.constant 0 : index
      %swap3A_64 = tpu.vector_load %arg9[%swap3A, %swap3A_63] {strides = array<i32>} : memref<200x128xi32, #tpu.memory_space<vmem>>, vector<16xi32>,
      tpu.vector_store %arg9[%swap3A, %swap3A_63], %add3A_58 {strides = array<i32>} : memref<200x128xi32, #tpu.memory_space<vmem>>, vector<16xi32>,
      %mul3A_65 = arith.constant 8 : i32
      %mul3A_66 = arith.muli %scan3A_41, %mul3A_65 : i32
      %add3A_67 = arith.constant 0 : i32
      %add3A_68 = arith.addi %mul3A_66, %add3A_67 : i32
      %get3A_69 = arith.index_cast %add3A_68 : i32 to index
      %get3A_70 = arith.constant 16 : index
      %get3A_71 = tpu.vector_load %arg9[%get3A_69, %get3A_70] {strides = array<i32>} : memref<200x128xi32, #tpu.memory_space<vmem>>, vector<16xi32>,
      %mul3A_72 = arith.constant 68 : i32
      %mul3A_73 = vector.broadcast %mul3A_72 : i32 to vector<16xi32>
      %mul3A_74 = arith.muli %get3A_71, %mul3A_73 : vector<16xi32>
      %get3A_75 = arith.constant 0 : i32
      %get3A_76 = arith.index_cast %get3A_75 : i32 to index
      %get3A_77 = arith.constant 16 : index
      %get3A_78 = tpu.vector_load %arg10[%get3A_76, %get3A_77] {strides = array<i32>} : memref<8x128xi32, #tpu.memory_space<vmem>>, vector<16xi32>,
      %add3A_79 = arith.addi %mul3A_74, %get3A_78 : vector<16xi32>
      %mul3A_80 = arith.constant 8 : i32
      %mul3A_81 = arith.muli %scan3A_41, %mul3A_80 : i32
      %add3A_82 = arith.constant 0 : i32
      %add3A_83 = arith.addi %mul3A_81, %add3A_82 : i32
      %swap3A_84 = arith.index_cast %add3A_83 : i32 to index
      %swap3A_85 = arith.constant 16 : index
      %swap3A_86 = tpu.vector_load %arg9[%swap3A_84, %swap3A_85] {strides = array<i32>} : memref<200x128xi32, #tpu.memory_space<vmem>>, vector<16xi32>,
      tpu.vector_store %arg9[%swap3A_84, %swap3A_85], %add3A_79 {strides = array<i32>} : memref<200x128xi32, #tpu.memory_space<vmem>>, vector<16xi32>,
      %mul3A_87 = arith.constant 8 : i32
      %mul3A_88 = arith.muli %scan3A_41, %mul3A_87 : i32
      %add3A_89 = arith.constant 0 : i32
      %add3A_90 = arith.addi %mul3A_88, %add3A_89 : i32
      %get3A_91 = arith.index_cast %add3A_90 : i32 to index
      %get3A_92 = arith.constant 32 : index
      %get3A_93 = tpu.vector_load %arg9[%get3A_91, %get3A_92] {strides = array<i32>} : memref<200x128xi32, #tpu.memory_space<vmem>>, vector<16xi32>,
      %mul3A_94 = arith.constant 68 : i32
      %mul3A_95 = vector.broadcast %mul3A_94 : i32 to vector<16xi32>
      %mul3A_96 = arith.muli %get3A_93, %mul3A_95 : vector<16xi32>
      %get3A_97 = arith.constant 0 : i32
      %get3A_98 = arith.index_cast %get3A_97 : i32 to index
      %get3A_99 = arith.constant 32 : index
      %get3A_100 = tpu.vector_load %arg10[%get3A_98, %get3A_99] {strides = array<i32>} : memref<8x128xi32, #tpu.memory_space<vmem>>, vector<16xi32>,
      %add3A_101 = arith.addi %mul3A_96, %get3A_100 : vector<16xi32>
      %mul3A_102 = arith.constant 8 : i32
      %mul3A_103 = arith.muli %scan3A_41, %mul3A_102 : i32
      %add3A_104 = arith.constant 0 : i32
      %add3A_105 = arith.addi %mul3A_103, %add3A_104 : i32
      %swap3A_106 = arith.index_cast %add3A_105 : i32 to index
      %swap3A_107 = arith.constant 32 : index
      %swap3A_108 = tpu.vector_load %arg9[%swap3A_106, %swap3A_107] {strides = array<i32>} : memref<200x128xi32, #tpu.memory_space<vmem>>, vector<16xi32>,
      tpu.vector_store %arg9[%swap3A_106, %swap3A_107], %add3A_101 {strides = array<i32>} : memref<200x128xi32, #tpu.memory_space<vmem>>, vector<16xi32>,
      %mul3A_109 = arith.constant 8 : i32
      %mul3A_110 = arith.muli %scan3A_41, %mul3A_109 : i32
      %add3A_111 = arith.constant 0 : i32
      %add3A_112 = arith.addi %mul3A_110, %add3A_111 : i32
      %get3A_113 = arith.index_cast %add3A_112 : i32 to index
      %get3A_114 = arith.constant 48 : index
      %get3A_115 = tpu.vector_load %arg9[%get3A_113, %get3A_114] {strides = array<i32>} : memref<200x128xi32, #tpu.memory_space<vmem>>, vector<16xi32>,
      %mul3A_116 = arith.constant 68 : i32
      %mul3A_117 = vector.broadcast %mul3A_116 : i32 to vector<16xi32>
      %mul3A_118 = arith.muli %get3A_115, %mul3A_117 : vector<16xi32>
      %get3A_119 = arith.constant 0 : i32
      %get3A_120 = arith.index_cast %get3A_119 : i32 to index
      %get3A_121 = arith.constant 48 : index
      %get3A_122 = tpu.vector_load %arg10[%get3A_120, %get3A_121] {strides = array<i32>} : memref<8x128xi32, #tpu.memory_space<vmem>>, vector<16xi32>,
      %add3A_123 = arith.addi %mul3A_118, %get3A_122 : vector<16xi32>
      %mul3A_124 = arith.constant 8 : i32
      %mul3A_125 = arith.muli %scan3A_41, %mul3A_124 : i32
      %add3A_126 = arith.constant 0 : i32
      %add3A_127 = arith.addi %mul3A_125, %add3A_126 : i32
      %swap3A_128 = arith.index_cast %add3A_127 : i32 to index
      %swap3A_129 = arith.constant 48 : index
      %swap3A_130 = tpu.vector_load %arg9[%swap3A_128, %swap3A_129] {strides = array<i32>} : memref<200x128xi32, #tpu.memory_space<vmem>>, vector<16xi32>,
      tpu.vector_store %arg9[%swap3A_128, %swap3A_129], %add3A_123 {strides = array<i32>} : memref<200x128xi32, #tpu.memory_space<vmem>>, vector<16xi32>,
      %mul3A_131 = arith.constant 8 : i32
      %mul3A_132 = arith.muli %scan3A_41, %mul3A_131 : i32
      %add3A_133 = arith.constant 0 : i32
      %add3A_134 = arith.addi %mul3A_132, %add3A_133 : i32
      %get3A_135 = arith.index_cast %add3A_134 : i32 to index
      %get3A_136 = arith.constant 64 : index
      %get3A_137 = tpu.vector_load %arg9[%get3A_135, %get3A_136] {strides = array<i32>} : memref<200x128xi32, #tpu.memory_space<vmem>>, vector<16xi32>,
      %mul3A_138 = arith.constant 68 : i32
      %mul3A_139 = vector.broadcast %mul3A_138 : i32 to vector<16xi32>
      %mul3A_140 = arith.muli %get3A_137, %mul3A_139 : vector<16xi32>
      %get3A_141 = arith.constant 0 : i32
      %get3A_142 = arith.index_cast %get3A_141 : i32 to index
      %get3A_143 = arith.constant 64 : index
      %get3A_144 = tpu.vector_load %arg10[%get3A_142, %get3A_143] {strides = array<i32>} : memref<8x128xi32, #tpu.memory_space<vmem>>, vector<16xi32>,
      %add3A_145 = arith.addi %mul3A_140, %get3A_144 : vector<16xi32>
      %mul3A_146 = arith.constant 8 : i32
      %mul3A_147 = arith.muli %scan3A_41, %mul3A_146 : i32
      %add3A_148 = arith.constant 0 : i32
      %add3A_149 = arith.addi %mul3A_147, %add3A_148 : i32
      %swap3A_150 = arith.index_cast %add3A_149 : i32 to index
      %swap3A_151 = arith.constant 64 : index
      %swap3A_152 = tpu.vector_load %arg9[%swap3A_150, %swap3A_151] {strides = array<i32>} : memref<200x128xi32, #tpu.memory_space<vmem>>, vector<16xi32>,
      tpu.vector_store %arg9[%swap3A_150, %swap3A_151], %add3A_145 {strides = array<i32>} : memref<200x128xi32, #tpu.memory_space<vmem>>, vector<16xi32>,
      %mul3A_153 = arith.constant 8 : i32
      %mul3A_154 = arith.muli %scan3A_41, %mul3A_153 : i32
      %add3A_155 = arith.constant 0 : i32
      %add3A_156 = arith.addi %mul3A_154, %add3A_155 : i32
      %get3A_157 = arith.index_cast %add3A_156 : i32 to index
      %get3A_158 = arith.constant 80 : index
      %get3A_159 = tpu.vector_load %arg9[%get3A_157, %get3A_158] {strides = array<i32>} : memref<200x128xi32, #tpu.memory_space<vmem>>, vector<16xi32>,
      %mul3A_160 = arith.constant 68 : i32
      %mul3A_161 = vector.broadcast %mul3A_160 : i32 to vector<16xi32>
      %mul3A_162 = arith.muli %get3A_159, %mul3A_161 : vector<16xi32>
      %get3A_163 = arith.constant 0 : i32
      %get3A_164 = arith.index_cast %get3A_163 : i32 to index
      %get3A_165 = arith.constant 80 : index
      %get3A_166 = tpu.vector_load %arg10[%get3A_164, %get3A_165] {strides = array<i32>} : memref<8x128xi32, #tpu.memory_space<vmem>>, vector<16xi32>,
      %add3A_167 = arith.addi %mul3A_162, %get3A_166 : vector<16xi32>
      %mul3A_168 = arith.constant 8 : i32
      %mul3A_169 = arith.muli %scan3A_41, %mul3A_168 : i32
      %add3A_170 = arith.constant 0 : i32
      %add3A_171 = arith.addi %mul3A_169, %add3A_170 : i32
      %swap3A_172 = arith.index_cast %add3A_171 : i32 to index
      %swap3A_173 = arith.constant 80 : index
      %swap3A_174 = tpu.vector_load %arg9[%swap3A_172, %swap3A_173] {strides = array<i32>} : memref<200x128xi32, #tpu.memory_space<vmem>>, vector<16xi32>,
      tpu.vector_store %arg9[%swap3A_172, %swap3A_173], %add3A_167 {strides = array<i32>} : memref<200x128xi32, #tpu.memory_space<vmem>>, vector<16xi32>,
      %mul3A_175 = arith.constant 8 : i32
      %mul3A_176 = arith.muli %scan3A_41, %mul3A_175 : i32
      %add3A_177 = arith.constant 0 : i32
      %add3A_178 = arith.addi %mul3A_176, %add3A_177 : i32
      %get3A_179 = arith.index_cast %add3A_178 : i32 to index
      %get3A_180 = arith.constant 96 : index
      %get3A_181 = tpu.vector_load %arg9[%get3A_179, %get3A_180] {strides = array<i32>} : memref<200x128xi32, #tpu.memory_space<vmem>>, vector<16xi32>,
      %mul3A_182 = arith.constant 68 : i32
      %mul3A_183 = vector.broadcast %mul3A_182 : i32 to vector<16xi32>
      %mul3A_184 = arith.muli %get3A_181, %mul3A_183 : vector<16xi32>
      %get3A_185 = arith.constant 0 : i32
      %get3A_186 = arith.index_cast %get3A_185 : i32 to index
      %get3A_187 = arith.constant 96 : index
      %get3A_188 = tpu.vector_load %arg10[%get3A_186, %get3A_187] {strides = array<i32>} : memref<8x128xi32, #tpu.memory_space<vmem>>, vector<16xi32>,
      %add3A_189 = arith.addi %mul3A_184, %get3A_188 : vector<16xi32>
      %mul3A_190 = arith.constant 8 : i32
      %mul3A_191 = arith.muli %scan3A_41, %mul3A_190 : i32
      %add3A_192 = arith.constant 0 : i32
      %add3A_193 = arith.addi %mul3A_191, %add3A_192 : i32
      %swap3A_194 = arith.index_cast %add3A_193 : i32 to index
      %swap3A_195 = arith.constant 96 : index
      %swap3A_196 = tpu.vector_load %arg9[%swap3A_194, %swap3A_195] {strides = array<i32>} : memref<200x128xi32, #tpu.memory_space<vmem>>, vector<16xi32>,
      tpu.vector_store %arg9[%swap3A_194, %swap3A_195], %add3A_189 {strides = array<i32>} : memref<200x128xi32, #tpu.memory_space<vmem>>, vector<16xi32>,
      %mul3A_197 = arith.constant 8 : i32
      %mul3A_198 = arith.muli %scan3A_41, %mul3A_197 : i32
      %add3A_199 = arith.constant 0 : i32
      %add3A_200 = arith.addi %mul3A_198, %add3A_199 : i32
      %get3A_201 = arith.index_cast %add3A_200 : i32 to index
      %get3A_202 = arith.constant 112 : index
      %get3A_203 = tpu.vector_load %arg9[%get3A_201, %get3A_202] {strides = array<i32>} : memref<200x128xi32, #tpu.memory_space<vmem>>, vector<16xi32>,
      %mul3A_204 = arith.constant 68 : i32
      %mul3A_205 = vector.broadcast %mul3A_204 : i32 to vector<16xi32>
      %mul3A_206 = arith.muli %get3A_203, %mul3A_205 : vector<16xi32>
      %get3A_207 = arith.constant 0 : i32
      %get3A_208 = arith.index_cast %get3A_207 : i32 to index
      %get3A_209 = arith.constant 112 : index
      %get3A_210 = tpu.vector_load %arg10[%get3A_208, %get3A_209] {strides = array<i32>} : memref<8x128xi32, #tpu.memory_space<vmem>>, vector<16xi32>,
      %add3A_211 = arith.addi %mul3A_206, %get3A_210 : vector<16xi32>
      %mul3A_212 = arith.constant 8 : i32
      %mul3A_213 = arith.muli %scan3A_41, %mul3A_212 : i32
      %add3A_214 = arith.constant 0 : i32
      %add3A_215 = arith.addi %mul3A_213, %add3A_214 : i32
      %swap3A_216 = arith.index_cast %add3A_215 : i32 to index
      %swap3A_217 = arith.constant 112 : index
      %swap3A_218 = tpu.vector_load %arg9[%swap3A_216, %swap3A_217] {strides = array<i32>} : memref<200x128xi32, #tpu.memory_space<vmem>>, vector<16xi32>,
      tpu.vector_store %arg9[%swap3A_216, %swap3A_217], %add3A_211 {strides = array<i32>} : memref<200x128xi32, #tpu.memory_space<vmem>>, vector<16xi32>,
      %mul3A_219 = arith.constant 8 : i32
      %mul3A_220 = arith.muli %scan3A_41, %mul3A_219 : i32
      %add3A_221 = arith.constant 1 : i32
      %add3A_222 = arith.addi %mul3A_220, %add3A_221 : i32
      %get3A_223 = arith.index_cast %add3A_222 : i32 to index
      %get3A_224 = arith.constant 0 : index
      %get3A_225 = tpu.vector_load %arg9[%get3A_223, %get3A_224] {strides = array<i32>} : memref<200x128xi32, #tpu.memory_space<vmem>>, vector<16xi32>,
      %mul3A_226 = arith.constant 68 : i32
      %mul3A_227 = vector.broadcast %mul3A_226 : i32 to vector<16xi32>
      %mul3A_228 = arith.muli %get3A_225, %mul3A_227 : vector<16xi32>
      %get3A_229 = arith.constant 1 : i32
      %get3A_230 = arith.index_cast %get3A_229 : i32 to index
      %get3A_231 = arith.constant 0 : index
      %get3A_232 = tpu.vector_load %arg10[%get3A_230, %get3A_231] {strides = array<i32>} : memref<8x128xi32, #tpu.memory_space<vmem>>, vector<16xi32>,
      %add3A_233 = arith.addi %mul3A_228, %get3A_232 : vector<16xi32>
      %mul3A_234 = arith.constant 8 : i32
      %mul3A_235 = arith.muli %scan3A_41, %mul3A_234 : i32
      %add3A_236 = arith.constant 1 : i32
      %add3A_237 = arith.addi %mul3A_235, %add3A_236 : i32
      %swap3A_238 = arith.index_cast %add3A_237 : i32 to index
      %swap3A_239 = arith.constant 0 : index
      %swap3A_240 = tpu.vector_load %arg9[%swap3A_238, %swap3A_239] {strides = array<i32>} : memref<200x128xi32, #tpu.memory_space<vmem>>, vector<16xi32>,
      tpu.vector_store %arg9[%swap3A_238, %swap3A_239], %add3A_233 {strides = array<i32>} : memref<200x128xi32, #tpu.memory_space<vmem>>, vector<16xi32>,
      %mul3A_241 = arith.constant 8 : i32
      %mul3A_242 = arith.muli %scan3A_41, %mul3A_241 : i32
      %add3A_243 = arith.constant 1 : i32
      %add3A_244 = arith.addi %mul3A_242, %add3A_243 : i32
      %get3A_245 = arith.index_cast %add3A_244 : i32 to index
      %get3A_246 = arith.constant 16 : index
      %get3A_247 = tpu.vector_load %arg9[%get3A_245, %get3A_246] {strides = array<i32>} : memref<200x128xi32, #tpu.memory_space<vmem>>, vector<16xi32>,
      %mul3A_248 = arith.constant 68 : i32
      %mul3A_249 = vector.broadcast %mul3A_248 : i32 to vector<16xi32>
      %mul3A_250 = arith.muli %get3A_247, %mul3A_249 : vector<16xi32>
      %get3A_251 = arith.constant 1 : i32
      %get3A_252 = arith.index_cast %get3A_251 : i32 to index
      %get3A_253 = arith.constant 16 : index
      %get3A_254 = tpu.vector_load %arg10[%get3A_252, %get3A_253] {strides = array<i32>} : memref<8x128xi32, #tpu.memory_space<vmem>>, vector<16xi32>,
      %add3A_255 = arith.addi %mul3A_250, %get3A_254 : vector<16xi32>
      %mul3A_256 = arith.constant 8 : i32
      %mul3A_257 = arith.muli %scan3A_41, %mul3A_256 : i32
      %add3A_258 = arith.constant 1 : i32
      %add3A_259 = arith.addi %mul3A_257, %add3A_258 : i32
      %swap3A_260 = arith.index_cast %add3A_259 : i32 to index
      %swap3A_261 = arith.constant 16 : index
      %swap3A_262 = tpu.vector_load %arg9[%swap3A_260, %swap3A_261] {strides = array<i32>} : memref<200x128xi32, #tpu.memory_space<vmem>>, vector<16xi32>,
      tpu.vector_store %arg9[%swap3A_260, %swap3A_261], %add3A_255 {strides = array<i32>} : memref<200x128xi32, #tpu.memory_space<vmem>>, vector<16xi32>,
      %mul3A_263 = arith.constant 8 : i32
      %mul3A_264 = arith.muli %scan3A_41, %mul3A_263 : i32
      %add3A_265 = arith.constant 1 : i32
      %add3A_266 = arith.addi %mul3A_264, %add3A_265 : i32
      %get3A_267 = arith.index_cast %add3A_266 : i32 to index
      %get3A_268 = arith.constant 32 : index
      %get3A_269 = tpu.vector_load %arg9[%get3A_267, %get3A_268] {strides = array<i32>} : memref<200x128xi32, #tpu.memory_space<vmem>>, vector<16xi32>,
      %mul3A_270 = arith.constant 68 : i32
      %mul3A_271 = vector.broadcast %mul3A_270 : i32 to vector<16xi32>
      %mul3A_272 = arith.muli %get3A_269, %mul3A_271 : vector<16xi32>
      %get3A_273 = arith.constant 1 : i32
      %get3A_274 = arith.index_cast %get3A_273 : i32 to index
      %get3A_275 = arith.constant 32 : index
      %get3A_276 = tpu.vector_load %arg10[%get3A_274, %get3A_275] {strides = array<i32>} : memref<8x128xi32, #tpu.memory_space<vmem>>, vector<16xi32>,
      %add3A_277 = arith.addi %mul3A_272, %get3A_276 : vector<16xi32>
      %mul3A_278 = arith.constant 8 : i32
      %mul3A_279 = arith.muli %scan3A_41, %mul3A_278 : i32
      %add3A_280 = arith.constant 1 : i32
      %add3A_281 = arith.addi %mul3A_279, %add3A_280 : i32
      %swap3A_282 = arith.index_cast %add3A_281 : i32 to index
      %swap3A_283 = arith.constant 32 : index
      %swap3A_284 = tpu.vector_load %arg9[%swap3A_282, %swap3A_283] {strides = array<i32>} : memref<200x128xi32, #tpu.memory_space<vmem>>, vector<16xi32>,
      tpu.vector_store %arg9[%swap3A_282, %swap3A_283], %add3A_277 {strides = array<i32>} : memref<200x128xi32, #tpu.memory_space<vmem>>, vector<16xi32>,
      %mul3A_285 = arith.constant 8 : i32
      %mul3A_286 = arith.muli %scan3A_41, %mul3A_285 : i32
      %add3A_287 = arith.constant 1 : i32
      %add3A_288 = arith.addi %mul3A_286, %add3A_287 : i32
      %get3A_289 = arith.index_cast %add3A_288 : i32 to index
      %get3A_290 = arith.constant 48 : index
      %get3A_291 = tpu.vector_load %arg9[%get3A_289, %get3A_290] {strides = array<i32>} : memref<200x128xi32, #tpu.memory_space<vmem>>, vector<16xi32>,
      %mul3A_292 = arith.constant 68 : i32
      %mul3A_293 = vector.broadcast %mul3A_292 : i32 to vector<16xi32>
      %mul3A_294 = arith.muli %get3A_291, %mul3A_293 : vector<16xi32>
      %get3A_295 = arith.constant 1 : i32
      %get3A_296 = arith.index_cast %get3A_295 : i32 to index
      %get3A_297 = arith.constant 48 : index
      %get3A_298 = tpu.vector_load %arg10[%get3A_296, %get3A_297] {strides = array<i32>} : memref<8x128xi32, #tpu.memory_space<vmem>>, vector<16xi32>,
      %add3A_299 = arith.addi %mul3A_294, %get3A_298 : vector<16xi32>
      %mul3A_300 = arith.constant 8 : i32
      %mul3A_301 = arith.muli %scan3A_41, %mul3A_300 : i32
      %add3A_302 = arith.constant 1 : i32
      %add3A_303 = arith.addi %mul3A_301, %add3A_302 : i32
      %swap3A_304 = arith.index_cast %add3A_303 : i32 to index
      %swap3A_305 = arith.constant 48 : index
      %swap3A_306 = tpu.vector_load %arg9[%swap3A_304, %swap3A_305] {strides = array<i32>} : memref<200x128xi32, #tpu.memory_space<vmem>>, vector<16xi32>,
      tpu.vector_store %arg9[%swap3A_304, %swap3A_305], %add3A_299 {strides = array<i32>} : memref<200x128xi32, #tpu.memory_space<vmem>>, vector<16xi32>,
      %mul3A_307 = arith.constant 8 : i32
      %mul3A_308 = arith.muli %scan3A_41, %mul3A_307 : i32
      %add3A_309 = arith.constant 1 : i32
      %add3A_310 = arith.addi %mul3A_308, %add3A_309 : i32
      %get3A_311 = arith.index_cast %add3A_310 : i32 to index
      %get3A_312 = arith.constant 64 : index
      %get3A_313 = tpu.vector_load %arg9[%get3A_311, %get3A_312] {strides = array<i32>} : memref<200x128xi32, #tpu.memory_space<vmem>>, vector<16xi32>,
      %mul3A_314 = arith.constant 68 : i32
      %mul3A_315 = vector.broadcast %mul3A_314 : i32 to vector<16xi32>
      %mul3A_316 = arith.muli %get3A_313, %mul3A_315 : vector<16xi32>
      %get3A_317 = arith.constant 1 : i32
      %get3A_318 = arith.index_cast %get3A_317 : i32 to index
      %get3A_319 = arith.constant 64 : index
      %get3A_320 = tpu.vector_load %arg10[%get3A_318, %get3A_319] {strides = array<i32>} : memref<8x128xi32, #tpu.memory_space<vmem>>, vector<16xi32>,
      %add3A_321 = arith.addi %mul3A_316, %get3A_320 : vector<16xi32>
      %mul3A_322 = arith.constant 8 : i32
      %mul3A_323 = arith.muli %scan3A_41, %mul3A_322 : i32
      %add3A_324 = arith.constant 1 : i32
      %add3A_325 = arith.addi %mul3A_323, %add3A_324 : i32
      %swap3A_326 = arith.index_cast %add3A_325 : i32 to index
      %swap3A_327 = arith.constant 64 : index
      %swap3A_328 = tpu.vector_load %arg9[%swap3A_326, %swap3A_327] {strides = array<i32>} : memref<200x128xi32, #tpu.memory_space<vmem>>, vector<16xi32>,
      tpu.vector_store %arg9[%swap3A_326, %swap3A_327], %add3A_321 {strides = array<i32>} : memref<200x128xi32, #tpu.memory_space<vmem>>, vector<16xi32>,
      %mul3A_329 = arith.constant 8 : i32
      %mul3A_330 = arith.muli %scan3A_41, %mul3A_329 : i32
      %add3A_331 = arith.constant 1 : i32
      %add3A_332 = arith.addi %mul3A_330, %add3A_331 : i32
      %get3A_333 = arith.index_cast %add3A_332 : i32 to index
      %get3A_334 = arith.constant 80 : index
      %get3A_335 = tpu.vector_load %arg9[%get3A_333, %get3A_334] {strides = array<i32>} : memref<200x128xi32, #tpu.memory_space<vmem>>, vector<16xi32>,
      %mul3A_336 = arith.constant 68 : i32
      %mul3A_337 = vector.broadcast %mul3A_336 : i32 to vector<16xi32>
      %mul3A_338 = arith.muli %get3A_335, %mul3A_337 : vector<16xi32>
      %get3A_339 = arith.constant 1 : i32
      %get3A_340 = arith.index_cast %get3A_339 : i32 to index
      %get3A_341 = arith.constant 80 : index
      %get3A_342 = tpu.vector_load %arg10[%get3A_340, %get3A_341] {strides = array<i32>} : memref<8x128xi32, #tpu.memory_space<vmem>>, vector<16xi32>,
      %add3A_343 = arith.addi %mul3A_338, %get3A_342 : vector<16xi32>
      %mul3A_344 = arith.constant 8 : i32
      %mul3A_345 = arith.muli %scan3A_41, %mul3A_344 : i32
      %add3A_346 = arith.constant 1 : i32
      %add3A_347 = arith.addi %mul3A_345, %add3A_346 : i32
      %swap3A_348 = arith.index_cast %add3A_347 : i32 to index
      %swap3A_349 = arith.constant 80 : index
      %swap3A_350 = tpu.vector_load %arg9[%swap3A_348, %swap3A_349] {strides = array<i32>} : memref<200x128xi32, #tpu.memory_space<vmem>>, vector<16xi32>,
      tpu.vector_store %arg9[%swap3A_348, %swap3A_349], %add3A_343 {strides = array<i32>} : memref<200x128xi32, #tpu.memory_space<vmem>>, vector<16xi32>,
      %mul3A_351 = arith.constant 8 : i32
      %mul3A_352 = arith.muli %scan3A_41, %mul3A_351 : i32
      %add3A_353 = arith.constant 1 : i32
      %add3A_354 = arith.addi %mul3A_352, %add3A_353 : i32
      %get3A_355 = arith.index_cast %add3A_354 : i32 to index
      %get3A_356 = arith.constant 96 : index
      %get3A_357 = tpu.vector_load %arg9[%get3A_355, %get3A_356] {strides = array<i32>} : memref<200x128xi32, #tpu.memory_space<vmem>>, vector<16xi32>,
      %mul3A_358 = arith.constant 68 : i32
      %mul3A_359 = vector.broadcast %mul3A_358 : i32 to vector<16xi32>
      %mul3A_360 = arith.muli %get3A_357, %mul3A_359 : vector<16xi32>
      %get3A_361 = arith.constant 1 : i32
      %get3A_362 = arith.index_cast %get3A_361 : i32 to index
      %get3A_363 = arith.constant 96 : index
      %get3A_364 = tpu.vector_load %arg10[%get3A_362, %get3A_363] {strides = array<i32>} : memref<8x128xi32, #tpu.memory_space<vmem>>, vector<16xi32>,
      %add3A_365 = arith.addi %mul3A_360, %get3A_364 : vector<16xi32>
      %mul3A_366 = arith.constant 8 : i32
      %mul3A_367 = arith.muli %scan3A_41, %mul3A_366 : i32
      %add3A_368 = arith.constant 1 : i32
      %add3A_369 = arith.addi %mul3A_367, %add3A_368 : i32
      %swap3A_370 = arith.index_cast %add3A_369 : i32 to index
      %swap3A_371 = arith.constant 96 : index
      %swap3A_372 = tpu.vector_load %arg9[%swap3A_370, %swap3A_371] {strides = array<i32>} : memref<200x128xi32, #tpu.memory_space<vmem>>, vector<16xi32>,
      tpu.vector_store %arg9[%swap3A_370, %swap3A_371], %add3A_365 {strides = array<i32>} : memref<200x128xi32, #tpu.memory_space<vmem>>, vector<16xi32>,
      %mul3A_373 = arith.constant 8 : i32
      %mul3A_374 = arith.muli %scan3A_41, %mul3A_373 : i32
      %add3A_375 = arith.constant 1 : i32
      %add3A_376 = arith.addi %mul3A_374, %add3A_375 : i32
      %get3A_377 = arith.index_cast %add3A_376 : i32 to index
      %get3A_378 = arith.constant 112 : index
      %get3A_379 = tpu.vector_load %arg9[%get3A_377, %get3A_378] {strides = array<i32>} : memref<200x128xi32, #tpu.memory_space<vmem>>, vector<16xi32>,
      %mul3A_380 = arith.constant 68 : i32
      %mul3A_381 = vector.broadcast %mul3A_380 : i32 to vector<16xi32>
      %mul3A_382 = arith.muli %get3A_379, %mul3A_381 : vector<16xi32>
      %get3A_383 = arith.constant 1 : i32
      %get3A_384 = arith.index_cast %get3A_383 : i32 to index
      %get3A_385 = arith.constant 112 : index
      %get3A_386 = tpu.vector_load %arg10[%get3A_384, %get3A_385] {strides = array<i32>} : memref<8x128xi32, #tpu.memory_space<vmem>>, vector<16xi32>,
      %add3A_387 = arith.addi %mul3A_382, %get3A_386 : vector<16xi32>
      %mul3A_388 = arith.constant 8 : i32
      %mul3A_389 = arith.muli %scan3A_41, %mul3A_388 : i32
      %add3A_390 = arith.constant 1 : i32
      %add3A_391 = arith.addi %mul3A_389, %add3A_390 : i32
      %swap3A_392 = arith.index_cast %add3A_391 : i32 to index
      %swap3A_393 = arith.constant 112 : index
      %swap3A_394 = tpu.vector_load %arg9[%swap3A_392, %swap3A_393] {strides = array<i32>} : memref<200x128xi32, #tpu.memory_space<vmem>>, vector<16xi32>,
      tpu.vector_store %arg9[%swap3A_392, %swap3A_393], %add3A_387 {strides = array<i32>} : memref<200x128xi32, #tpu.memory_space<vmem>>, vector<16xi32>,
      %mul3A_395 = arith.constant 8 : i32
      %mul3A_396 = arith.muli %scan3A_41, %mul3A_395 : i32
      %add3A_397 = arith.constant 2 : i32
      %add3A_398 = arith.addi %mul3A_396, %add3A_397 : i32
      %get3A_399 = arith.index_cast %add3A_398 : i32 to index
      %get3A_400 = arith.constant 0 : index
      %get3A_401 = tpu.vector_load %arg9[%get3A_399, %get3A_400] {strides = array<i32>} : memref<200x128xi32, #tpu.memory_space<vmem>>, vector<16xi32>,
      %mul3A_402 = arith.constant 68 : i32
      %mul3A_403 = vector.broadcast %mul3A_402 : i32 to vector<16xi32>
      %mul3A_404 = arith.muli %get3A_401, %mul3A_403 : vector<16xi32>
      %get3A_405 = arith.constant 2 : i32
      %get3A_406 = arith.index_cast %get3A_405 : i32 to index
      %get3A_407 = arith.constant 0 : index
      %get3A_408 = tpu.vector_load %arg10[%get3A_406, %get3A_407] {strides = array<i32>} : memref<8x128xi32, #tpu.memory_space<vmem>>, vector<16xi32>,
      %add3A_409 = arith.addi %mul3A_404, %get3A_408 : vector<16xi32>
      %mul3A_410 = arith.constant 8 : i32
      %mul3A_411 = arith.muli %scan3A_41, %mul3A_410 : i32
      %add3A_412 = arith.constant 2 : i32
      %add3A_413 = arith.addi %mul3A_411, %add3A_412 : i32
      %swap3A_414 = arith.index_cast %add3A_413 : i32 to index
      %swap3A_415 = arith.constant 0 : index
      %swap3A_416 = tpu.vector_load %arg9[%swap3A_414, %swap3A_415] {strides = array<i32>} : memref<200x128xi32, #tpu.memory_space<vmem>>, vector<16xi32>,
      tpu.vector_store %arg9[%swap3A_414, %swap3A_415], %add3A_409 {strides = array<i32>} : memref<200x128xi32, #tpu.memory_space<vmem>>, vector<16xi32>,
      %mul3A_417 = arith.constant 8 : i32
      %mul3A_418 = arith.muli %scan3A_41, %mul3A_417 : i32
      %add3A_419 = arith.constant 2 : i32
      %add3A_420 = arith.addi %mul3A_418, %add3A_419 : i32
      %get3A_421 = arith.index_cast %add3A_420 : i32 to index
      %get3A_422 = arith.constant 16 : index
      %get3A_423 = tpu.vector_load %arg9[%get3A_421, %get3A_422] {strides = array<i32>} : memref<200x128xi32, #tpu.memory_space<vmem>>, vector<16xi32>,
      %mul3A_424 = arith.constant 68 : i32
      %mul3A_425 = vector.broadcast %mul3A_424 : i32 to vector<16xi32>
      %mul3A_426 = arith.muli %get3A_423, %mul3A_425 : vector<16xi32>
      %get3A_427 = arith.constant 2 : i32
      %get3A_428 = arith.index_cast %get3A_427 : i32 to index
      %get3A_429 = arith.constant 16 : index
      %get3A_430 = tpu.vector_load %arg10[%get3A_428, %get3A_429] {strides = array<i32>} : memref<8x128xi32, #tpu.memory_space<vmem>>, vector<16xi32>,
      %add3A_431 = arith.addi %mul3A_426, %get3A_430 : vector<16xi32>
      %mul3A_432 = arith.constant 8 : i32
      %mul3A_433 = arith.muli %scan3A_41, %mul3A_432 : i32
      %add3A_434 = arith.constant 2 : i32
      %add3A_435 = arith.addi %mul3A_433, %add3A_434 : i32
      %swap3A_436 = arith.index_cast %add3A_435 : i32 to index
      %swap3A_437 = arith.constant 16 : index
      %swap3A_438 = tpu.vector_load %arg9[%swap3A_436, %swap3A_437] {strides = array<i32>} : memref<200x128xi32, #tpu.memory_space<vmem>>, vector<16xi32>,
      tpu.vector_store %arg9[%swap3A_436, %swap3A_437], %add3A_431 {strides = array<i32>} : memref<200x128xi32, #tpu.memory_space<vmem>>, vector<16xi32>,
      %mul3A_439 = arith.constant 8 : i32
      %mul3A_440 = arith.muli %scan3A_41, %mul3A_439 : i32
      %add3A_441 = arith.constant 2 : i32
      %add3A_442 = arith.addi %mul3A_440, %add3A_441 : i32
      %get3A_443 = arith.index_cast %add3A_442 : i32 to index
      %get3A_444 = arith.constant 32 : index
      %get3A_445 = tpu.vector_load %arg9[%get3A_443, %get3A_444] {strides = array<i32>} : memref<200x128xi32, #tpu.memory_space<vmem>>, vector<16xi32>,
      %mul3A_446 = arith.constant 68 : i32
      %mul3A_447 = vector.broadcast %mul3A_446 : i32 to vector<16xi32>
      %mul3A_448 = arith.muli %get3A_445, %mul3A_447 : vector<16xi32>
      %get3A_449 = arith.constant 2 : i32
      %get3A_450 = arith.index_cast %get3A_449 : i32 to index
      %get3A_451 = arith.constant 32 : index
      %get3A_452 = tpu.vector_load %arg10[%get3A_450, %get3A_451] {strides = array<i32>} : memref<8x128xi32, #tpu.memory_space<vmem>>, vector<16xi32>,
      %add3A_453 = arith.addi %mul3A_448, %get3A_452 : vector<16xi32>
      %mul3A_454 = arith.constant 8 : i32
      %mul3A_455 = arith.muli %scan3A_41, %mul3A_454 : i32
      %add3A_456 = arith.constant 2 : i32
      %add3A_457 = arith.addi %mul3A_455, %add3A_456 : i32
      %swap3A_458 = arith.index_cast %add3A_457 : i32 to index
      %swap3A_459 = arith.constant 32 : index
      %swap3A_460 = tpu.vector_load %arg9[%swap3A_458, %swap3A_459] {strides = array<i32>} : memref<200x128xi32, #tpu.memory_space<vmem>>, vector<16xi32>,
      tpu.vector_store %arg9[%swap3A_458, %swap3A_459], %add3A_453 {strides = array<i32>} : memref<200x128xi32, #tpu.memory_space<vmem>>, vector<16xi32>,
      %mul3A_461 = arith.constant 8 : i32
      %mul3A_462 = arith.muli %scan3A_41, %mul3A_461 : i32
      %add3A_463 = arith.constant 2 : i32
      %add3A_464 = arith.addi %mul3A_462, %add3A_463 : i32
      %get3A_465 = arith.index_cast %add3A_464 : i32 to index
      %get3A_466 = arith.constant 48 : index
      %get3A_467 = tpu.vector_load %arg9[%get3A_465, %get3A_466] {strides = array<i32>} : memref<200x128xi32, #tpu.memory_space<vmem>>, vector<16xi32>,
      %mul3A_468 = arith.constant 68 : i32
      %mul3A_469 = vector.broadcast %mul3A_468 : i32 to vector<16xi32>
      %mul3A_470 = arith.muli %get3A_467, %mul3A_469 : vector<16xi32>
      %get3A_471 = arith.constant 2 : i32
      %get3A_472 = arith.index_cast %get3A_471 : i32 to index
      %get3A_473 = arith.constant 48 : index
      %get3A_474 = tpu.vector_load %arg10[%get3A_472, %get3A_473] {strides = array<i32>} : memref<8x128xi32, #tpu.memory_space<vmem>>, vector<16xi32>,
      %add3A_475 = arith.addi %mul3A_470, %get3A_474 : vector<16xi32>
      %mul3A_476 = arith.constant 8 : i32
      %mul3A_477 = arith.muli %scan3A_41, %mul3A_476 : i32
      %add3A_478 = arith.constant 2 : i32
      %add3A_479 = arith.addi %mul3A_477, %add3A_478 : i32
      %swap3A_480 = arith.index_cast %add3A_479 : i32 to index
      %swap3A_481 = arith.constant 48 : index
      %swap3A_482 = tpu.vector_load %arg9[%swap3A_480, %swap3A_481] {strides = array<i32>} : memref<200x128xi32, #tpu.memory_space<vmem>>, vector<16xi32>,
      tpu.vector_store %arg9[%swap3A_480, %swap3A_481], %add3A_475 {strides = array<i32>} : memref<200x128xi32, #tpu.memory_space<vmem>>, vector<16xi32>,
      %mul3A_483 = arith.constant 8 : i32
      %mul3A_484 = arith.muli %scan3A_41, %mul3A_483 : i32
      %add3A_485 = arith.constant 2 : i32
      %add3A_486 = arith.addi %mul3A_484, %add3A_485 : i32
      %get3A_487 = arith.index_cast %add3A_486 : i32 to index
      %get3A_488 = arith.constant 64 : index
      %get3A_489 = tpu.vector_load %arg9[%get3A_487, %get3A_488] {strides = array<i32>} : memref<200x128xi32, #tpu.memory_space<vmem>>, vector<16xi32>,
      %mul3A_490 = arith.constant 68 : i32
      %mul3A_491 = vector.broadcast %mul3A_490 : i32 to vector<16xi32>
      %mul3A_492 = arith.muli %get3A_489, %mul3A_491 : vector<16xi32>
      %get3A_493 = arith.constant 2 : i32
      %get3A_494 = arith.index_cast %get3A_493 : i32 to index
      %get3A_495 = arith.constant 64 : index
      %get3A_496 = tpu.vector_load %arg10[%get3A_494, %get3A_495] {strides = array<i32>} : memref<8x128xi32, #tpu.memory_space<vmem>>, vector<16xi32>,
      %add3A_497 = arith.addi %mul3A_492, %get3A_496 : vector<16xi32>
      %mul3A_498 = arith.constant 8 : i32
      %mul3A_499 = arith.muli %scan3A_41, %mul3A_498 : i32
      %add3A_500 = arith.constant 2 : i32
      %add3A_501 = arith.addi %mul3A_499, %add3A_500 : i32
      %swap3A_502 = arith.index_cast %add3A_501 : i32 to index
      %swap3A_503 = arith.constant 64 : index
      %swap3A_504 = tpu.vector_load %arg9[%swap3A_502, %swap3A_503] {strides = array<i32>} : memref<200x128xi32, #tpu.memory_space<vmem>>, vector<16xi32>,
      tpu.vector_store %arg9[%swap3A_502, %swap3A_503], %add3A_497 {strides = array<i32>} : memref<200x128xi32, #tpu.memory_space<vmem>>, vector<16xi32>,
      %mul3A_505 = arith.constant 8 : i32
      %mul3A_506 = arith.muli %scan3A_41, %mul3A_505 : i32
      %add3A_507 = arith.constant 2 : i32
      %add3A_508 = arith.addi %mul3A_506, %add3A_507 : i32
      %get3A_509 = arith.index_cast %add3A_508 : i32 to index
      %get3A_510 = arith.constant 80 : index
      %get3A_511 = tpu.vector_load %arg9[%get3A_509, %get3A_510] {strides = array<i32>} : memref<200x128xi32, #tpu.memory_space<vmem>>, vector<16xi32>,
      %mul3A_512 = arith.constant 68 : i32
      %mul3A_513 = vector.broadcast %mul3A_512 : i32 to vector<16xi32>
      %mul3A_514 = arith.muli %get3A_511, %mul3A_513 : vector<16xi32>
      %get3A_515 = arith.constant 2 : i32
      %get3A_516 = arith.index_cast %get3A_515 : i32 to index
      %get3A_517 = arith.constant 80 : index
      %get3A_518 = tpu.vector_load %arg10[%get3A_516, %get3A_517] {strides = array<i32>} : memref<8x128xi32, #tpu.memory_space<vmem>>, vector<16xi32>,
      %add3A_519 = arith.addi %mul3A_514, %get3A_518 : vector<16xi32>
      %mul3A_520 = arith.constant 8 : i32
      %mul3A_521 = arith.muli %scan3A_41, %mul3A_520 : i32
      %add3A_522 = arith.constant 2 : i32
      %add3A_523 = arith.addi %mul3A_521, %add3A_522 : i32
      %swap3A_524 = arith.index_cast %add3A_523 : i32 to index
      %swap3A_525 = arith.constant 80 : index
      %swap3A_526 = tpu.vector_load %arg9[%swap3A_524, %swap3A_525] {strides = array<i32>} : memref<200x128xi32, #tpu.memory_space<vmem>>, vector<16xi32>,
      tpu.vector_store %arg9[%swap3A_524, %swap3A_525], %add3A_519 {strides = array<i32>} : memref<200x128xi32, #tpu.memory_space<vmem>>, vector<16xi32>,
      %mul3A_527 = arith.constant 8 : i32
      %mul3A_528 = arith.muli %scan3A_41, %mul3A_527 : i32
      %add3A_529 = arith.constant 2 : i32
      %add3A_530 = arith.addi %mul3A_528, %add3A_529 : i32
      %get3A_531 = arith.index_cast %add3A_530 : i32 to index
      %get3A_532 = arith.constant 96 : index
      %get3A_533 = tpu.vector_load %arg9[%get3A_531, %get3A_532] {strides = array<i32>} : memref<200x128xi32, #tpu.memory_space<vmem>>, vector<16xi32>,
      %mul3A_534 = arith.constant 68 : i32
      %mul3A_535 = vector.broadcast %mul3A_534 : i32 to vector<16xi32>
      %mul3A_536 = arith.muli %get3A_533, %mul3A_535 : vector<16xi32>
      %get3A_537 = arith.constant 2 : i32
      %get3A_538 = arith.index_cast %get3A_537 : i32 to index
      %get3A_539 = arith.constant 96 : index
      %get3A_540 = tpu.vector_load %arg10[%get3A_538, %get3A_539] {strides = array<i32>} : memref<8x128xi32, #tpu.memory_space<vmem>>, vector<16xi32>,
      %add3A_541 = arith.addi %mul3A_536, %get3A_540 : vector<16xi32>
      %mul3A_542 = arith.constant 8 : i32
      %mul3A_543 = arith.muli %scan3A_41, %mul3A_542 : i32
      %add3A_544 = arith.constant 2 : i32
      %add3A_545 = arith.addi %mul3A_543, %add3A_544 : i32
      %swap3A_546 = arith.index_cast %add3A_545 : i32 to index
      %swap3A_547 = arith.constant 96 : index
      %swap3A_548 = tpu.vector_load %arg9[%swap3A_546, %swap3A_547] {strides = array<i32>} : memref<200x128xi32, #tpu.memory_space<vmem>>, vector<16xi32>,
      tpu.vector_store %arg9[%swap3A_546, %swap3A_547], %add3A_541 {strides = array<i32>} : memref<200x128xi32, #tpu.memory_space<vmem>>, vector<16xi32>,
      %mul3A_549 = arith.constant 8 : i32
      %mul3A_550 = arith.muli %scan3A_41, %mul3A_549 : i32
      %add3A_551 = arith.constant 2 : i32
      %add3A_552 = arith.addi %mul3A_550, %add3A_551 : i32
      %get3A_553 = arith.index_cast %add3A_552 : i32 to index
      %get3A_554 = arith.constant 112 : index
      %get3A_555 = tpu.vector_load %arg9[%get3A_553, %get3A_554] {strides = array<i32>} : memref<200x128xi32, #tpu.memory_space<vmem>>, vector<16xi32>,
      %mul3A_556 = arith.constant 68 : i32
      %mul3A_557 = vector.broadcast %mul3A_556 : i32 to vector<16xi32>
      %mul3A_558 = arith.muli %get3A_555, %mul3A_557 : vector<16xi32>
      %get3A_559 = arith.constant 2 : i32
      %get3A_560 = arith.index_cast %get3A_559 : i32 to index
      %get3A_561 = arith.constant 112 : index
      %get3A_562 = tpu.vector_load %arg10[%get3A_560, %get3A_561] {strides = array<i32>} : memref<8x128xi32, #tpu.memory_space<vmem>>, vector<16xi32>,
      %add3A_563 = arith.addi %mul3A_558, %get3A_562 : vector<16xi32>
      %mul3A_564 = arith.constant 8 : i32
      %mul3A_565 = arith.muli %scan3A_41, %mul3A_564 : i32
      %add3A_566 = arith.constant 2 : i32
      %add3A_567 = arith.addi %mul3A_565, %add3A_566 : i32
      %swap3A_568 = arith.index_cast %add3A_567 : i32 to index
      %swap3A_569 = arith.constant 112 : index
      %swap3A_570 = tpu.vector_load %arg9[%swap3A_568, %swap3A_569] {strides = array<i32>} : memref<200x128xi32, #tpu.memory_space<vmem>>, vector<16xi32>,
      tpu.vector_store %arg9[%swap3A_568, %swap3A_569], %add3A_563 {strides = array<i32>} : memref<200x128xi32, #tpu.memory_space<vmem>>, vector<16xi32>,
      %mul3A_571 = arith.constant 8 : i32
      %mul3A_572 = arith.muli %scan3A_41, %mul3A_571 : i32
      %add3A_573 = arith.constant 3 : i32
      %add3A_574 = arith.addi %mul3A_572, %add3A_573 : i32
      %get3A_575 = arith.index_cast %add3A_574 : i32 to index
      %get3A_576 = arith.constant 0 : index
      %get3A_577 = tpu.vector_load %arg9[%get3A_575, %get3A_576] {strides = array<i32>} : memref<200x128xi32, #tpu.memory_space<vmem>>, vector<16xi32>,
      %mul3A_578 = arith.constant 68 : i32
      %mul3A_579 = vector.broadcast %mul3A_578 : i32 to vector<16xi32>
      %mul3A_580 = arith.muli %get3A_577, %mul3A_579 : vector<16xi32>
      %get3A_581 = arith.constant 3 : i32
      %get3A_582 = arith.index_cast %get3A_581 : i32 to index
      %get3A_583 = arith.constant 0 : index
      %get3A_584 = tpu.vector_load %arg10[%get3A_582, %get3A_583] {strides = array<i32>} : memref<8x128xi32, #tpu.memory_space<vmem>>, vector<16xi32>,
      %add3A_585 = arith.addi %mul3A_580, %get3A_584 : vector<16xi32>
      %mul3A_586 = arith.constant 8 : i32
      %mul3A_587 = arith.muli %scan3A_41, %mul3A_586 : i32
      %add3A_588 = arith.constant 3 : i32
      %add3A_589 = arith.addi %mul3A_587, %add3A_588 : i32
      %swap3A_590 = arith.index_cast %add3A_589 : i32 to index
      %swap3A_591 = arith.constant 0 : index
      %swap3A_592 = tpu.vector_load %arg9[%swap3A_590, %swap3A_591] {strides = array<i32>} : memref<200x128xi32, #tpu.memory_space<vmem>>, vector<16xi32>,
      tpu.vector_store %arg9[%swap3A_590, %swap3A_591], %add3A_585 {strides = array<i32>} : memref<200x128xi32, #tpu.memory_space<vmem>>, vector<16xi32>,
      %mul3A_593 = arith.constant 8 : i32
      %mul3A_594 = arith.muli %scan3A_41, %mul3A_593 : i32
      %add3A_595 = arith.constant 3 : i32
      %add3A_596 = arith.addi %mul3A_594, %add3A_595 : i32
      %get3A_597 = arith.index_cast %add3A_596 : i32 to index
      %get3A_598 = arith.constant 16 : index
      %get3A_599 = tpu.vector_load %arg9[%get3A_597, %get3A_598] {strides = array<i32>} : memref<200x128xi32, #tpu.memory_space<vmem>>, vector<16xi32>,
      %mul3A_600 = arith.constant 68 : i32
      %mul3A_601 = vector.broadcast %mul3A_600 : i32 to vector<16xi32>
      %mul3A_602 = arith.muli %get3A_599, %mul3A_601 : vector<16xi32>
      %get3A_603 = arith.constant 3 : i32
      %get3A_604 = arith.index_cast %get3A_603 : i32 to index
      %get3A_605 = arith.constant 16 : index
      %get3A_606 = tpu.vector_load %arg10[%get3A_604, %get3A_605] {strides = array<i32>} : memref<8x128xi32, #tpu.memory_space<vmem>>, vector<16xi32>,
      %add3A_607 = arith.addi %mul3A_602, %get3A_606 : vector<16xi32>
      %mul3A_608 = arith.constant 8 : i32
      %mul3A_609 = arith.muli %scan3A_41, %mul3A_608 : i32
      %add3A_610 = arith.constant 3 : i32
      %add3A_611 = arith.addi %mul3A_609, %add3A_610 : i32
      %swap3A_612 = arith.index_cast %add3A_611 : i32 to index
      %swap3A_613 = arith.constant 16 : index
      %swap3A_614 = tpu.vector_load %arg9[%swap3A_612, %swap3A_613] {strides = array<i32>} : memref<200x128xi32, #tpu.memory_space<vmem>>, vector<16xi32>,
      tpu.vector_store %arg9[%swap3A_612, %swap3A_613], %add3A_607 {strides = array<i32>} : memref<200x128xi32, #tpu.memory_space<vmem>>, vector<16xi32>,
      %mul3A_615 = arith.constant 8 : i32
      %mul3A_616 = arith.muli %scan3A_41, %mul3A_615 : i32
      %add3A_617 = arith.constant 3 : i32
      %add3A_618 = arith.addi %mul3A_616, %add3A_617 : i32
      %get3A_619 = arith.index_cast %add3A_618 : i32 to index
      %get3A_620 = arith.constant 32 : index
      %get3A_621 = tpu.vector_load %arg9[%get3A_619, %get3A_620] {strides = array<i32>} : memref<200x128xi32, #tpu.memory_space<vmem>>, vector<16xi32>,
      %mul3A_622 = arith.constant 68 : i32
      %mul3A_623 = vector.broadcast %mul3A_622 : i32 to vector<16xi32>
      %mul3A_624 = arith.muli %get3A_621, %mul3A_623 : vector<16xi32>
      %get3A_625 = arith.constant 3 : i32
      %get3A_626 = arith.index_cast %get3A_625 : i32 to index
      %get3A_627 = arith.constant 32 : index
      %get3A_628 = tpu.vector_load %arg10[%get3A_626, %get3A_627] {strides = array<i32>} : memref<8x128xi32, #tpu.memory_space<vmem>>, vector<16xi32>,
      %add3A_629 = arith.addi %mul3A_624, %get3A_628 : vector<16xi32>
      %mul3A_630 = arith.constant 8 : i32
      %mul3A_631 = arith.muli %scan3A_41, %mul3A_630 : i32
      %add3A_632 = arith.constant 3 : i32
      %add3A_633 = arith.addi %mul3A_631, %add3A_632 : i32
      %swap3A_634 = arith.index_cast %add3A_633 : i32 to index
      %swap3A_635 = arith.constant 32 : index
      %swap3A_636 = tpu.vector_load %arg9[%swap3A_634, %swap3A_635] {strides = array<i32>} : memref<200x128xi32, #tpu.memory_space<vmem>>, vector<16xi32>,
      tpu.vector_store %arg9[%swap3A_634, %swap3A_635], %add3A_629 {strides = array<i32>} : memref<200x128xi32, #tpu.memory_space<vmem>>, vector<16xi32>,
      %mul3A_637 = arith.constant 8 : i32
      %mul3A_638 = arith.muli %scan3A_41, %mul3A_637 : i32
      %add3A_639 = arith.constant 3 : i32
      %add3A_640 = arith.addi %mul3A_638, %add3A_639 : i32
      %get3A_641 = arith.index_cast %add3A_640 : i32 to index
      %get3A_642 = arith.constant 48 : index
      %get3A_643 = tpu.vector_load %arg9[%get3A_641, %get3A_642] {strides = array<i32>} : memref<200x128xi32, #tpu.memory_space<vmem>>, vector<16xi32>,
      %mul3A_644 = arith.constant 68 : i32
      %mul3A_645 = vector.broadcast %mul3A_644 : i32 to vector<16xi32>
      %mul3A_646 = arith.muli %get3A_643, %mul3A_645 : vector<16xi32>
      %get3A_647 = arith.constant 3 : i32
      %get3A_648 = arith.index_cast %get3A_647 : i32 to index
      %get3A_649 = arith.constant 48 : index
      %get3A_650 = tpu.vector_load %arg10[%get3A_648, %get3A_649] {strides = array<i32>} : memref<8x128xi32, #tpu.memory_space<vmem>>, vector<16xi32>,
      %add3A_651 = arith.addi %mul3A_646, %get3A_650 : vector<16xi32>
      %mul3A_652 = arith.constant 8 : i32
      %mul3A_653 = arith.muli %scan3A_41, %mul3A_652 : i32
      %add3A_654 = arith.constant 3 : i32
      %add3A_655 = arith.addi %mul3A_653, %add3A_654 : i32
      %swap3A_656 = arith.index_cast %add3A_655 : i32 to index
      %swap3A_657 = arith.constant 48 : index
      %swap3A_658 = tpu.vector_load %arg9[%swap3A_656, %swap3A_657] {strides = array<i32>} : memref<200x128xi32, #tpu.memory_space<vmem>>, vector<16xi32>,
      tpu.vector_store %arg9[%swap3A_656, %swap3A_657], %add3A_651 {strides = array<i32>} : memref<200x128xi32, #tpu.memory_space<vmem>>, vector<16xi32>,
      %mul3A_659 = arith.constant 8 : i32
      %mul3A_660 = arith.muli %scan3A_41, %mul3A_659 : i32
      %add3A_661 = arith.constant 3 : i32
      %add3A_662 = arith.addi %mul3A_660, %add3A_661 : i32
      %get3A_663 = arith.index_cast %add3A_662 : i32 to index
      %get3A_664 = arith.constant 64 : index
      %get3A_665 = tpu.vector_load %arg9[%get3A_663, %get3A_664] {strides = array<i32>} : memref<200x128xi32, #tpu.memory_space<vmem>>, vector<16xi32>,
      %mul3A_666 = arith.constant 68 : i32
      %mul3A_667 = vector.broadcast %mul3A_666 : i32 to vector<16xi32>
      %mul3A_668 = arith.muli %get3A_665, %mul3A_667 : vector<16xi32>
      %get3A_669 = arith.constant 3 : i32
      %get3A_670 = arith.index_cast %get3A_669 : i32 to index
      %get3A_671 = arith.constant 64 : index
      %get3A_672 = tpu.vector_load %arg10[%get3A_670, %get3A_671] {strides = array<i32>} : memref<8x128xi32, #tpu.memory_space<vmem>>, vector<16xi32>,
      %add3A_673 = arith.addi %mul3A_668, %get3A_672 : vector<16xi32>
      %mul3A_674 = arith.constant 8 : i32
      %mul3A_675 = arith.muli %scan3A_41, %mul3A_674 : i32
      %add3A_676 = arith.constant 3 : i32
      %add3A_677 = arith.addi %mul3A_675, %add3A_676 : i32
      %swap3A_678 = arith.index_cast %add3A_677 : i32 to index
      %swap3A_679 = arith.constant 64 : index
      %swap3A_680 = tpu.vector_load %arg9[%swap3A_678, %swap3A_679] {strides = array<i32>} : memref<200x128xi32, #tpu.memory_space<vmem>>, vector<16xi32>,
      tpu.vector_store %arg9[%swap3A_678, %swap3A_679], %add3A_673 {strides = array<i32>} : memref<200x128xi32, #tpu.memory_space<vmem>>, vector<16xi32>,
      %mul3A_681 = arith.constant 8 : i32
      %mul3A_682 = arith.muli %scan3A_41, %mul3A_681 : i32
      %add3A_683 = arith.constant 3 : i32
      %add3A_684 = arith.addi %mul3A_682, %add3A_683 : i32
      %get3A_685 = arith.index_cast %add3A_684 : i32 to index
      %get3A_686 = arith.constant 80 : index
      %get3A_687 = tpu.vector_load %arg9[%get3A_685, %get3A_686] {strides = array<i32>} : memref<200x128xi32, #tpu.memory_space<vmem>>, vector<16xi32>,
      %mul3A_688 = arith.constant 68 : i32
      %mul3A_689 = vector.broadcast %mul3A_688 : i32 to vector<16xi32>
      %mul3A_690 = arith.muli %get3A_687, %mul3A_689 : vector<16xi32>
      %get3A_691 = arith.constant 3 : i32
      %get3A_692 = arith.index_cast %get3A_691 : i32 to index
      %get3A_693 = arith.constant 80 : index
      %get3A_694 = tpu.vector_load %arg10[%get3A_692, %get3A_693] {strides = array<i32>} : memref<8x128xi32, #tpu.memory_space<vmem>>, vector<16xi32>,
      %add3A_695 = arith.addi %mul3A_690, %get3A_694 : vector<16xi32>
      %mul3A_696 = arith.constant 8 : i32
      %mul3A_697 = arith.muli %scan3A_41, %mul3A_696 : i32
      %add3A_698 = arith.constant 3 : i32
      %add3A_699 = arith.addi %mul3A_697, %add3A_698 : i32
      %swap3A_700 = arith.index_cast %add3A_699 : i32 to index
      %swap3A_701 = arith.constant 80 : index
      %swap3A_702 = tpu.vector_load %arg9[%swap3A_700, %swap3A_701] {strides = array<i32>} : memref<200x128xi32, #tpu.memory_space<vmem>>, vector<16xi32>,
      tpu.vector_store %arg9[%swap3A_700, %swap3A_701], %add3A_695 {strides = array<i32>} : memref<200x128xi32, #tpu.memory_space<vmem>>, vector<16xi32>,
      %mul3A_703 = arith.constant 8 : i32
      %mul3A_704 = arith.muli %scan3A_41, %mul3A_703 : i32
      %add3A_705 = arith.constant 3 : i32
      %add3A_706 = arith.addi %mul3A_704, %add3A_705 : i32
      %get3A_707 = arith.index_cast %add3A_706 : i32 to index
      %get3A_708 = arith.constant 96 : index
      %get3A_709 = tpu.vector_load %arg9[%get3A_707, %get3A_708] {strides = array<i32>} : memref<200x128xi32, #tpu.memory_space<vmem>>, vector<16xi32>,
      %mul3A_710 = arith.constant 68 : i32
      %mul3A_711 = vector.broadcast %mul3A_710 : i32 to vector<16xi32>
      %mul3A_712 = arith.muli %get3A_709, %mul3A_711 : vector<16xi32>
      %get3A_713 = arith.constant 3 : i32
      %get3A_714 = arith.index_cast %get3A_713 : i32 to index
      %get3A_715 = arith.constant 96 : index
      %get3A_716 = tpu.vector_load %arg10[%get3A_714, %get3A_715] {strides = array<i32>} : memref<8x128xi32, #tpu.memory_space<vmem>>, vector<16xi32>,
      %add3A_717 = arith.addi %mul3A_712, %get3A_716 : vector<16xi32>
      %mul3A_718 = arith.constant 8 : i32
      %mul3A_719 = arith.muli %scan3A_41, %mul3A_718 : i32
      %add3A_720 = arith.constant 3 : i32
      %add3A_721 = arith.addi %mul3A_719, %add3A_720 : i32
      %swap3A_722 = arith.index_cast %add3A_721 : i32 to index
      %swap3A_723 = arith.constant 96 : index
      %swap3A_724 = tpu.vector_load %arg9[%swap3A_722, %swap3A_723] {strides = array<i32>} : memref<200x128xi32, #tpu.memory_space<vmem>>, vector<16xi32>,
      tpu.vector_store %arg9[%swap3A_722, %swap3A_723], %add3A_717 {strides = array<i32>} : memref<200x128xi32, #tpu.memory_space<vmem>>, vector<16xi32>,
      %mul3A_725 = arith.constant 8 : i32
      %mul3A_726 = arith.muli %scan3A_41, %mul3A_725 : i32
      %add3A_727 = arith.constant 3 : i32
      %add3A_728 = arith.addi %mul3A_726, %add3A_727 : i32
      %get3A_729 = arith.index_cast %add3A_728 : i32 to index
      %get3A_730 = arith.constant 112 : index
      %get3A_731 = tpu.vector_load %arg9[%get3A_729, %get3A_730] {strides = array<i32>} : memref<200x128xi32, #tpu.memory_space<vmem>>, vector<16xi32>,
      %mul3A_732 = arith.constant 68 : i32
      %mul3A_733 = vector.broadcast %mul3A_732 : i32 to vector<16xi32>
      %mul3A_734 = arith.muli %get3A_731, %mul3A_733 : vector<16xi32>
      %get3A_735 = arith.constant 3 : i32
      %get3A_736 = arith.index_cast %get3A_735 : i32 to index
      %get3A_737 = arith.constant 112 : index
      %get3A_738 = tpu.vector_load %arg10[%get3A_736, %get3A_737] {strides = array<i32>} : memref<8x128xi32, #tpu.memory_space<vmem>>, vector<16xi32>,
      %add3A_739 = arith.addi %mul3A_734, %get3A_738 : vector<16xi32>
      %mul3A_740 = arith.constant 8 : i32
      %mul3A_741 = arith.muli %scan3A_41, %mul3A_740 : i32
      %add3A_742 = arith.constant 3 : i32
      %add3A_743 = arith.addi %mul3A_741, %add3A_742 : i32
      %swap3A_744 = arith.index_cast %add3A_743 : i32 to index
      %swap3A_745 = arith.constant 112 : index
      %swap3A_746 = tpu.vector_load %arg9[%swap3A_744, %swap3A_745] {strides = array<i32>} : memref<200x128xi32, #tpu.memory_space<vmem>>, vector<16xi32>,
      tpu.vector_store %arg9[%swap3A_744, %swap3A_745], %add3A_739 {strides = array<i32>} : memref<200x128xi32, #tpu.memory_space<vmem>>, vector<16xi32>,
      %mul3A_747 = arith.constant 8 : i32
      %mul3A_748 = arith.muli %scan3A_41, %mul3A_747 : i32
      %add3A_749 = arith.constant 4 : i32
      %add3A_750 = arith.addi %mul3A_748, %add3A_749 : i32
      %get3A_751 = arith.index_cast %add3A_750 : i32 to index
      %get3A_752 = arith.constant 0 : index
      %get3A_753 = tpu.vector_load %arg9[%get3A_751, %get3A_752] {strides = array<i32>} : memref<200x128xi32, #tpu.memory_space<vmem>>, vector<16xi32>,
      %mul3A_754 = arith.constant 68 : i32
      %mul3A_755 = vector.broadcast %mul3A_754 : i32 to vector<16xi32>
      %mul3A_756 = arith.muli %get3A_753, %mul3A_755 : vector<16xi32>
      %get3A_757 = arith.constant 4 : i32
      %get3A_758 = arith.index_cast %get3A_757 : i32 to index
      %get3A_759 = arith.constant 0 : index
      %get3A_760 = tpu.vector_load %arg10[%get3A_758, %get3A_759] {strides = array<i32>} : memref<8x128xi32, #tpu.memory_space<vmem>>, vector<16xi32>,
      %add3A_761 = arith.addi %mul3A_756, %get3A_760 : vector<16xi32>
      %mul3A_762 = arith.constant 8 : i32
      %mul3A_763 = arith.muli %scan3A_41, %mul3A_762 : i32
      %add3A_764 = arith.constant 4 : i32
      %add3A_765 = arith.addi %mul3A_763, %add3A_764 : i32
      %swap3A_766 = arith.index_cast %add3A_765 : i32 to index
      %swap3A_767 = arith.constant 0 : index
      %swap3A_768 = tpu.vector_load %arg9[%swap3A_766, %swap3A_767] {strides = array<i32>} : memref<200x128xi32, #tpu.memory_space<vmem>>, vector<16xi32>,
      tpu.vector_store %arg9[%swap3A_766, %swap3A_767], %add3A_761 {strides = array<i32>} : memref<200x128xi32, #tpu.memory_space<vmem>>, vector<16xi32>,
      %mul3A_769 = arith.constant 8 : i32
      %mul3A_770 = arith.muli %scan3A_41, %mul3A_769 : i32
      %add3A_771 = arith.constant 4 : i32
      %add3A_772 = arith.addi %mul3A_770, %add3A_771 : i32
      %get3A_773 = arith.index_cast %add3A_772 : i32 to index
      %get3A_774 = arith.constant 16 : index
      %get3A_775 = tpu.vector_load %arg9[%get3A_773, %get3A_774] {strides = array<i32>} : memref<200x128xi32, #tpu.memory_space<vmem>>, vector<16xi32>,
      %mul3A_776 = arith.constant 68 : i32
      %mul3A_777 = vector.broadcast %mul3A_776 : i32 to vector<16xi32>
      %mul3A_778 = arith.muli %get3A_775, %mul3A_777 : vector<16xi32>
      %get3A_779 = arith.constant 4 : i32
      %get3A_780 = arith.index_cast %get3A_779 : i32 to index
      %get3A_781 = arith.constant 16 : index
      %get3A_782 = tpu.vector_load %arg10[%get3A_780, %get3A_781] {strides = array<i32>} : memref<8x128xi32, #tpu.memory_space<vmem>>, vector<16xi32>,
      %add3A_783 = arith.addi %mul3A_778, %get3A_782 : vector<16xi32>
      %mul3A_784 = arith.constant 8 : i32
      %mul3A_785 = arith.muli %scan3A_41, %mul3A_784 : i32
      %add3A_786 = arith.constant 4 : i32
      %add3A_787 = arith.addi %mul3A_785, %add3A_786 : i32
      %swap3A_788 = arith.index_cast %add3A_787 : i32 to index
      %swap3A_789 = arith.constant 16 : index
      %swap3A_790 = tpu.vector_load %arg9[%swap3A_788, %swap3A_789] {strides = array<i32>} : memref<200x128xi32, #tpu.memory_space<vmem>>, vector<16xi32>,
      tpu.vector_store %arg9[%swap3A_788, %swap3A_789], %add3A_783 {strides = array<i32>} : memref<200x128xi32, #tpu.memory_space<vmem>>, vector<16xi32>,
      %mul3A_791 = arith.constant 8 : i32
      %mul3A_792 = arith.muli %scan3A_41, %mul3A_791 : i32
      %add3A_793 = arith.constant 4 : i32
      %add3A_794 = arith.addi %mul3A_792, %add3A_793 : i32
      %get3A_795 = arith.index_cast %add3A_794 : i32 to index
      %get3A_796 = arith.constant 32 : index
      %get3A_797 = tpu.vector_load %arg9[%get3A_795, %get3A_796] {strides = array<i32>} : memref<200x128xi32, #tpu.memory_space<vmem>>, vector<16xi32>,
      %mul3A_798 = arith.constant 68 : i32
      %mul3A_799 = vector.broadcast %mul3A_798 : i32 to vector<16xi32>
      %mul3A_800 = arith.muli %get3A_797, %mul3A_799 : vector<16xi32>
      %get3A_801 = arith.constant 4 : i32
      %get3A_802 = arith.index_cast %get3A_801 : i32 to index
      %get3A_803 = arith.constant 32 : index
      %get3A_804 = tpu.vector_load %arg10[%get3A_802, %get3A_803] {strides = array<i32>} : memref<8x128xi32, #tpu.memory_space<vmem>>, vector<16xi32>,
      %add3A_805 = arith.addi %mul3A_800, %get3A_804 : vector<16xi32>
      %mul3A_806 = arith.constant 8 : i32
      %mul3A_807 = arith.muli %scan3A_41, %mul3A_806 : i32
      %add3A_808 = arith.constant 4 : i32
      %add3A_809 = arith.addi %mul3A_807, %add3A_808 : i32
      %swap3A_810 = arith.index_cast %add3A_809 : i32 to index
      %swap3A_811 = arith.constant 32 : index
      %swap3A_812 = tpu.vector_load %arg9[%swap3A_810, %swap3A_811] {strides = array<i32>} : memref<200x128xi32, #tpu.memory_space<vmem>>, vector<16xi32>,
      tpu.vector_store %arg9[%swap3A_810, %swap3A_811], %add3A_805 {strides = array<i32>} : memref<200x128xi32, #tpu.memory_space<vmem>>, vector<16xi32>,
      %mul3A_813 = arith.constant 8 : i32
      %mul3A_814 = arith.muli %scan3A_41, %mul3A_813 : i32
      %add3A_815 = arith.constant 4 : i32
      %add3A_816 = arith.addi %mul3A_814, %add3A_815 : i32
      %get3A_817 = arith.index_cast %add3A_816 : i32 to index
      %get3A_818 = arith.constant 48 : index
      %get3A_819 = tpu.vector_load %arg9[%get3A_817, %get3A_818] {strides = array<i32>} : memref<200x128xi32, #tpu.memory_space<vmem>>, vector<16xi32>,
      %mul3A_820 = arith.constant 68 : i32
      %mul3A_821 = vector.broadcast %mul3A_820 : i32 to vector<16xi32>
      %mul3A_822 = arith.muli %get3A_819, %mul3A_821 : vector<16xi32>
      %get3A_823 = arith.constant 4 : i32
      %get3A_824 = arith.index_cast %get3A_823 : i32 to index
      %get3A_825 = arith.constant 48 : index
      %get3A_826 = tpu.vector_load %arg10[%get3A_824, %get3A_825] {strides = array<i32>} : memref<8x128xi32, #tpu.memory_space<vmem>>, vector<16xi32>,
      %add3A_827 = arith.addi %mul3A_822, %get3A_826 : vector<16xi32>
      %mul3A_828 = arith.constant 8 : i32
      %mul3A_829 = arith.muli %scan3A_41, %mul3A_828 : i32
      %add3A_830 = arith.constant 4 : i32
      %add3A_831 = arith.addi %mul3A_829, %add3A_830 : i32
      %swap3A_832 = arith.index_cast %add3A_831 : i32 to index
      %swap3A_833 = arith.constant 48 : index
      %swap3A_834 = tpu.vector_load %arg9[%swap3A_832, %swap3A_833] {strides = array<i32>} : memref<200x128xi32, #tpu.memory_space<vmem>>, vector<16xi32>,
      tpu.vector_store %arg9[%swap3A_832, %swap3A_833], %add3A_827 {strides = array<i32>} : memref<200x128xi32, #tpu.memory_space<vmem>>, vector<16xi32>,
      %mul3A_835 = arith.constant 8 : i32
      %mul3A_836 = arith.muli %scan3A_41, %mul3A_835 : i32
      %add3A_837 = arith.constant 4 : i32
      %add3A_838 = arith.addi %mul3A_836, %add3A_837 : i32
      %get3A_839 = arith.index_cast %add3A_838 : i32 to index
      %get3A_840 = arith.constant 64 : index
      %get3A_841 = tpu.vector_load %arg9[%get3A_839, %get3A_840] {strides = array<i32>} : memref<200x128xi32, #tpu.memory_space<vmem>>, vector<16xi32>,
      %mul3A_842 = arith.constant 68 : i32
      %mul3A_843 = vector.broadcast %mul3A_842 : i32 to vector<16xi32>
      %mul3A_844 = arith.muli %get3A_841, %mul3A_843 : vector<16xi32>
      %get3A_845 = arith.constant 4 : i32
      %get3A_846 = arith.index_cast %get3A_845 : i32 to index
      %get3A_847 = arith.constant 64 : index
      %get3A_848 = tpu.vector_load %arg10[%get3A_846, %get3A_847] {strides = array<i32>} : memref<8x128xi32, #tpu.memory_space<vmem>>, vector<16xi32>,
      %add3A_849 = arith.addi %mul3A_844, %get3A_848 : vector<16xi32>
      %mul3A_850 = arith.constant 8 : i32
      %mul3A_851 = arith.muli %scan3A_41, %mul3A_850 : i32
      %add3A_852 = arith.constant 4 : i32
      %add3A_853 = arith.addi %mul3A_851, %add3A_852 : i32
      %swap3A_854 = arith.index_cast %add3A_853 : i32 to index
      %swap3A_855 = arith.constant 64 : index
      %swap3A_856 = tpu.vector_load %arg9[%swap3A_854, %swap3A_855] {strides = array<i32>} : memref<200x128xi32, #tpu.memory_space<vmem>>, vector<16xi32>,
      tpu.vector_store %arg9[%swap3A_854, %swap3A_855], %add3A_849 {strides = array<i32>} : memref<200x128xi32, #tpu.memory_space<vmem>>, vector<16xi32>,
      %mul3A_857 = arith.constant 8 : i32
      %mul3A_858 = arith.muli %scan3A_41, %mul3A_857 : i32
      %add3A_859 = arith.constant 4 : i32
      %add3A_860 = arith.addi %mul3A_858, %add3A_859 : i32
      %get3A_861 = arith.index_cast %add3A_860 : i32 to index
      %get3A_862 = arith.constant 80 : index
      %get3A_863 = tpu.vector_load %arg9[%get3A_861, %get3A_862] {strides = array<i32>} : memref<200x128xi32, #tpu.memory_space<vmem>>, vector<16xi32>,
      %mul3A_864 = arith.constant 68 : i32
      %mul3A_865 = vector.broadcast %mul3A_864 : i32 to vector<16xi32>
      %mul3A_866 = arith.muli %get3A_863, %mul3A_865 : vector<16xi32>
      %get3A_867 = arith.constant 4 : i32
      %get3A_868 = arith.index_cast %get3A_867 : i32 to index
      %get3A_869 = arith.constant 80 : index
      %get3A_870 = tpu.vector_load %arg10[%get3A_868, %get3A_869] {strides = array<i32>} : memref<8x128xi32, #tpu.memory_space<vmem>>, vector<16xi32>,
      %add3A_871 = arith.addi %mul3A_866, %get3A_870 : vector<16xi32>
      %mul3A_872 = arith.constant 8 : i32
      %mul3A_873 = arith.muli %scan3A_41, %mul3A_872 : i32
      %add3A_874 = arith.constant 4 : i32
      %add3A_875 = arith.addi %mul3A_873, %add3A_874 : i32
      %swap3A_876 = arith.index_cast %add3A_875 : i32 to index
      %swap3A_877 = arith.constant 80 : index
      %swap3A_878 = tpu.vector_load %arg9[%swap3A_876, %swap3A_877] {strides = array<i32>} : memref<200x128xi32, #tpu.memory_space<vmem>>, vector<16xi32>,
      tpu.vector_store %arg9[%swap3A_876, %swap3A_877], %add3A_871 {strides = array<i32>} : memref<200x128xi32, #tpu.memory_space<vmem>>, vector<16xi32>,
      %mul3A_879 = arith.constant 8 : i32
      %mul3A_880 = arith.muli %scan3A_41, %mul3A_879 : i32
      %add3A_881 = arith.constant 4 : i32
      %add3A_882 = arith.addi %mul3A_880, %add3A_881 : i32
      %get3A_883 = arith.index_cast %add3A_882 : i32 to index
      %get3A_884 = arith.constant 96 : index
      %get3A_885 = tpu.vector_load %arg9[%get3A_883, %get3A_884] {strides = array<i32>} : memref<200x128xi32, #tpu.memory_space<vmem>>, vector<16xi32>,
      %mul3A_886 = arith.constant 68 : i32
      %mul3A_887 = vector.broadcast %mul3A_886 : i32 to vector<16xi32>
      %mul3A_888 = arith.muli %get3A_885, %mul3A_887 : vector<16xi32>
      %get3A_889 = arith.constant 4 : i32
      %get3A_890 = arith.index_cast %get3A_889 : i32 to index
      %get3A_891 = arith.constant 96 : index
      %get3A_892 = tpu.vector_load %arg10[%get3A_890, %get3A_891] {strides = array<i32>} : memref<8x128xi32, #tpu.memory_space<vmem>>, vector<16xi32>,
      %add3A_893 = arith.addi %mul3A_888, %get3A_892 : vector<16xi32>
      %mul3A_894 = arith.constant 8 : i32
      %mul3A_895 = arith.muli %scan3A_41, %mul3A_894 : i32
      %add3A_896 = arith.constant 4 : i32
      %add3A_897 = arith.addi %mul3A_895, %add3A_896 : i32
      %swap3A_898 = arith.index_cast %add3A_897 : i32 to index
      %swap3A_899 = arith.constant 96 : index
      %swap3A_900 = tpu.vector_load %arg9[%swap3A_898, %swap3A_899] {strides = array<i32>} : memref<200x128xi32, #tpu.memory_space<vmem>>, vector<16xi32>,
      tpu.vector_store %arg9[%swap3A_898, %swap3A_899], %add3A_893 {strides = array<i32>} : memref<200x128xi32, #tpu.memory_space<vmem>>, vector<16xi32>,
      %mul3A_901 = arith.constant 8 : i32
      %mul3A_902 = arith.muli %scan3A_41, %mul3A_901 : i32
      %add3A_903 = arith.constant 4 : i32
      %add3A_904 = arith.addi %mul3A_902, %add3A_903 : i32
      %get3A_905 = arith.index_cast %add3A_904 : i32 to index
      %get3A_906 = arith.constant 112 : index
      %get3A_907 = tpu.vector_load %arg9[%get3A_905, %get3A_906] {strides = array<i32>} : memref<200x128xi32, #tpu.memory_space<vmem>>, vector<16xi32>,
      %mul3A_908 = arith.constant 68 : i32
      %mul3A_909 = vector.broadcast %mul3A_908 : i32 to vector<16xi32>
      %mul3A_910 = arith.muli %get3A_907, %mul3A_909 : vector<16xi32>
      %get3A_911 = arith.constant 4 : i32
      %get3A_912 = arith.index_cast %get3A_911 : i32 to index
      %get3A_913 = arith.constant 112 : index
      %get3A_914 = tpu.vector_load %arg10[%get3A_912, %get3A_913] {strides = array<i32>} : memref<8x128xi32, #tpu.memory_space<vmem>>, vector<16xi32>,
      %add3A_915 = arith.addi %mul3A_910, %get3A_914 : vector<16xi32>
      %mul3A_916 = arith.constant 8 : i32
      %mul3A_917 = arith.muli %scan3A_41, %mul3A_916 : i32
      %add3A_918 = arith.constant 4 : i32
      %add3A_919 = arith.addi %mul3A_917, %add3A_918 : i32
      %swap3A_920 = arith.index_cast %add3A_919 : i32 to index
      %swap3A_921 = arith.constant 112 : index
      %swap3A_922 = tpu.vector_load %arg9[%swap3A_920, %swap3A_921] {strides = array<i32>} : memref<200x128xi32, #tpu.memory_space<vmem>>, vector<16xi32>,
      tpu.vector_store %arg9[%swap3A_920, %swap3A_921], %add3A_915 {strides = array<i32>} : memref<200x128xi32, #tpu.memory_space<vmem>>, vector<16xi32>,
      %mul3A_923 = arith.constant 8 : i32
      %mul3A_924 = arith.muli %scan3A_41, %mul3A_923 : i32
      %add3A_925 = arith.constant 5 : i32
      %add3A_926 = arith.addi %mul3A_924, %add3A_925 : i32
      %get3A_927 = arith.index_cast %add3A_926 : i32 to index
      %get3A_928 = arith.constant 0 : index
      %get3A_929 = tpu.vector_load %arg9[%get3A_927, %get3A_928] {strides = array<i32>} : memref<200x128xi32, #tpu.memory_space<vmem>>, vector<16xi32>,
      %mul3A_930 = arith.constant 68 : i32
      %mul3A_931 = vector.broadcast %mul3A_930 : i32 to vector<16xi32>
      %mul3A_932 = arith.muli %get3A_929, %mul3A_931 : vector<16xi32>
      %get3A_933 = arith.constant 5 : i32
      %get3A_934 = arith.index_cast %get3A_933 : i32 to index
      %get3A_935 = arith.constant 0 : index
      %get3A_936 = tpu.vector_load %arg10[%get3A_934, %get3A_935] {strides = array<i32>} : memref<8x128xi32, #tpu.memory_space<vmem>>, vector<16xi32>,
      %add3A_937 = arith.addi %mul3A_932, %get3A_936 : vector<16xi32>
      %mul3A_938 = arith.constant 8 : i32
      %mul3A_939 = arith.muli %scan3A_41, %mul3A_938 : i32
      %add3A_940 = arith.constant 5 : i32
      %add3A_941 = arith.addi %mul3A_939, %add3A_940 : i32
      %swap3A_942 = arith.index_cast %add3A_941 : i32 to index
      %swap3A_943 = arith.constant 0 : index
      %swap3A_944 = tpu.vector_load %arg9[%swap3A_942, %swap3A_943] {strides = array<i32>} : memref<200x128xi32, #tpu.memory_space<vmem>>, vector<16xi32>,
      tpu.vector_store %arg9[%swap3A_942, %swap3A_943], %add3A_937 {strides = array<i32>} : memref<200x128xi32, #tpu.memory_space<vmem>>, vector<16xi32>,
      %mul3A_945 = arith.constant 8 : i32
      %mul3A_946 = arith.muli %scan3A_41, %mul3A_945 : i32
      %add3A_947 = arith.constant 5 : i32
      %add3A_948 = arith.addi %mul3A_946, %add3A_947 : i32
      %get3A_949 = arith.index_cast %add3A_948 : i32 to index
      %get3A_950 = arith.constant 16 : index
      %get3A_951 = tpu.vector_load %arg9[%get3A_949, %get3A_950] {strides = array<i32>} : memref<200x128xi32, #tpu.memory_space<vmem>>, vector<16xi32>,
      %mul3A_952 = arith.constant 68 : i32
      %mul3A_953 = vector.broadcast %mul3A_952 : i32 to vector<16xi32>
      %mul3A_954 = arith.muli %get3A_951, %mul3A_953 : vector<16xi32>
      %get3A_955 = arith.constant 5 : i32
      %get3A_956 = arith.index_cast %get3A_955 : i32 to index
      %get3A_957 = arith.constant 16 : index
      %get3A_958 = tpu.vector_load %arg10[%get3A_956, %get3A_957] {strides = array<i32>} : memref<8x128xi32, #tpu.memory_space<vmem>>, vector<16xi32>,
      %add3A_959 = arith.addi %mul3A_954, %get3A_958 : vector<16xi32>
      %mul3A_960 = arith.constant 8 : i32
      %mul3A_961 = arith.muli %scan3A_41, %mul3A_960 : i32
      %add3A_962 = arith.constant 5 : i32
      %add3A_963 = arith.addi %mul3A_961, %add3A_962 : i32
      %swap3A_964 = arith.index_cast %add3A_963 : i32 to index
      %swap3A_965 = arith.constant 16 : index
      %swap3A_966 = tpu.vector_load %arg9[%swap3A_964, %swap3A_965] {strides = array<i32>} : memref<200x128xi32, #tpu.memory_space<vmem>>, vector<16xi32>,
      tpu.vector_store %arg9[%swap3A_964, %swap3A_965], %add3A_959 {strides = array<i32>} : memref<200x128xi32, #tpu.memory_space<vmem>>, vector<16xi32>,
      %mul3A_967 = arith.constant 8 : i32
      %mul3A_968 = arith.muli %scan3A_41, %mul3A_967 : i32
      %add3A_969 = arith.constant 5 : i32
      %add3A_970 = arith.addi %mul3A_968, %add3A_969 : i32
      %get3A_971 = arith.index_cast %add3A_970 : i32 to index
      %get3A_972 = arith.constant 32 : index
      %get3A_973 = tpu.vector_load %arg9[%get3A_971, %get3A_972] {strides = array<i32>} : memref<200x128xi32, #tpu.memory_space<vmem>>, vector<16xi32>,
      %mul3A_974 = arith.constant 68 : i32
      %mul3A_975 = vector.broadcast %mul3A_974 : i32 to vector<16xi32>
      %mul3A_976 = arith.muli %get3A_973, %mul3A_975 : vector<16xi32>
      %get3A_977 = arith.constant 5 : i32
      %get3A_978 = arith.index_cast %get3A_977 : i32 to index
      %get3A_979 = arith.constant 32 : index
      %get3A_980 = tpu.vector_load %arg10[%get3A_978, %get3A_979] {strides = array<i32>} : memref<8x128xi32, #tpu.memory_space<vmem>>, vector<16xi32>,
      %add3A_981 = arith.addi %mul3A_976, %get3A_980 : vector<16xi32>
      %mul3A_982 = arith.constant 8 : i32
      %mul3A_983 = arith.muli %scan3A_41, %mul3A_982 : i32
      %add3A_984 = arith.constant 5 : i32
      %add3A_985 = arith.addi %mul3A_983, %add3A_984 : i32
      %swap3A_986 = arith.index_cast %add3A_985 : i32 to index
      %swap3A_987 = arith.constant 32 : index
      %swap3A_988 = tpu.vector_load %arg9[%swap3A_986, %swap3A_987] {strides = array<i32>} : memref<200x128xi32, #tpu.memory_space<vmem>>, vector<16xi32>,
      tpu.vector_store %arg9[%swap3A_986, %swap3A_987], %add3A_981 {strides = array<i32>} : memref<200x128xi32, #tpu.memory_space<vmem>>, vector<16xi32>,
      %mul3A_989 = arith.constant 8 : i32
      %mul3A_990 = arith.muli %scan3A_41, %mul3A_989 : i32
      %add3A_991 = arith.constant 5 : i32
      %add3A_992 = arith.addi %mul3A_990, %add3A_991 : i32
      %get3A_993 = arith.index_cast %add3A_992 : i32 to index
      %get3A_994 = arith.constant 48 : index
      %get3A_995 = tpu.vector_load %arg9[%get3A_993, %get3A_994] {strides = array<i32>} : memref<200x128xi32, #tpu.memory_space<vmem>>, vector<16xi32>,
      %mul3A_996 = arith.constant 68 : i32
      %mul3A_997 = vector.broadcast %mul3A_996 : i32 to vector<16xi32>
      %mul3A_998 = arith.muli %get3A_995, %mul3A_997 : vector<16xi32>
      %get3A_999 = arith.constant 5 : i32
      %get3A_1000 = arith.index_cast %get3A_999 : i32 to index
      %get3A_1001 = arith.constant 48 : index
      %get3A_1002 = tpu.vector_load %arg10[%get3A_1000, %get3A_1001] {strides = array<i32>} : memref<8x128xi32, #tpu.memory_space<vmem>>, vector<16xi32>,
      %add3A_1003 = arith.addi %mul3A_998, %get3A_1002 : vector<16xi32>
      %mul3A_1004 = arith.constant 8 : i32
      %mul3A_1005 = arith.muli %scan3A_41, %mul3A_1004 : i32
      %add3A_1006 = arith.constant 5 : i32
      %add3A_1007 = arith.addi %mul3A_1005, %add3A_1006 : i32
      %swap3A_1008 = arith.index_cast %add3A_1007 : i32 to index
      %swap3A_1009 = arith.constant 48 : index
      %swap3A_1010 = tpu.vector_load %arg9[%swap3A_1008, %swap3A_1009] {strides = array<i32>} : memref<200x128xi32, #tpu.memory_space<vmem>>, vector<16xi32>,
      tpu.vector_store %arg9[%swap3A_1008, %swap3A_1009], %add3A_1003 {strides = array<i32>} : memref<200x128xi32, #tpu.memory_space<vmem>>, vector<16xi32>,
      %mul3A_1011 = arith.constant 8 : i32
      %mul3A_1012 = arith.muli %scan3A_41, %mul3A_1011 : i32
      %add3A_1013 = arith.constant 5 : i32
      %add3A_1014 = arith.addi %mul3A_1012, %add3A_1013 : i32
      %get3A_1015 = arith.index_cast %add3A_1014 : i32 to index
      %get3A_1016 = arith.constant 64 : index
      %get3A_1017 = tpu.vector_load %arg9[%get3A_1015, %get3A_1016] {strides = array<i32>} : memref<200x128xi32, #tpu.memory_space<vmem>>, vector<16xi32>,
      %mul3A_1018 = arith.constant 68 : i32
      %mul3A_1019 = vector.broadcast %mul3A_1018 : i32 to vector<16xi32>
      %mul3A_1020 = arith.muli %get3A_1017, %mul3A_1019 : vector<16xi32>
      %get3A_1021 = arith.constant 5 : i32
      %get3A_1022 = arith.index_cast %get3A_1021 : i32 to index
      %get3A_1023 = arith.constant 64 : index
      %get3A_1024 = tpu.vector_load %arg10[%get3A_1022, %get3A_1023] {strides = array<i32>} : memref<8x128xi32, #tpu.memory_space<vmem>>, vector<16xi32>,
      %add3A_1025 = arith.addi %mul3A_1020, %get3A_1024 : vector<16xi32>
      %mul3A_1026 = arith.constant 8 : i32
      %mul3A_1027 = arith.muli %scan3A_41, %mul3A_1026 : i32
      %add3A_1028 = arith.constant 5 : i32
      %add3A_1029 = arith.addi %mul3A_1027, %add3A_1028 : i32
      %swap3A_1030 = arith.index_cast %add3A_1029 : i32 to index
      %swap3A_1031 = arith.constant 64 : index
      %swap3A_1032 = tpu.vector_load %arg9[%swap3A_1030, %swap3A_1031] {strides = array<i32>} : memref<200x128xi32, #tpu.memory_space<vmem>>, vector<16xi32>,
      tpu.vector_store %arg9[%swap3A_1030, %swap3A_1031], %add3A_1025 {strides = array<i32>} : memref<200x128xi32, #tpu.memory_space<vmem>>, vector<16xi32>,
      %mul3A_1033 = arith.constant 8 : i32
      %mul3A_1034 = arith.muli %scan3A_41, %mul3A_1033 : i32
      %add3A_1035 = arith.constant 5 : i32
      %add3A_1036 = arith.addi %mul3A_1034, %add3A_1035 : i32
      %get3A_1037 = arith.index_cast %add3A_1036 : i32 to index
      %get3A_1038 = arith.constant 80 : index
      %get3A_1039 = tpu.vector_load %arg9[%get3A_1037, %get3A_1038] {strides = array<i32>} : memref<200x128xi32, #tpu.memory_space<vmem>>, vector<16xi32>,
      %mul3A_1040 = arith.constant 68 : i32
      %mul3A_1041 = vector.broadcast %mul3A_1040 : i32 to vector<16xi32>
      %mul3A_1042 = arith.muli %get3A_1039, %mul3A_1041 : vector<16xi32>
      %get3A_1043 = arith.constant 5 : i32
      %get3A_1044 = arith.index_cast %get3A_1043 : i32 to index
      %get3A_1045 = arith.constant 80 : index
      %get3A_1046 = tpu.vector_load %arg10[%get3A_1044, %get3A_1045] {strides = array<i32>} : memref<8x128xi32, #tpu.memory_space<vmem>>, vector<16xi32>,
      %add3A_1047 = arith.addi %mul3A_1042, %get3A_1046 : vector<16xi32>
      %mul3A_1048 = arith.constant 8 : i32
      %mul3A_1049 = arith.muli %scan3A_41, %mul3A_1048 : i32
      %add3A_1050 = arith.constant 5 : i32
      %add3A_1051 = arith.addi %mul3A_1049, %add3A_1050 : i32
      %swap3A_1052 = arith.index_cast %add3A_1051 : i32 to index
      %swap3A_1053 = arith.constant 80 : index
      %swap3A_1054 = tpu.vector_load %arg9[%swap3A_1052, %swap3A_1053] {strides = array<i32>} : memref<200x128xi32, #tpu.memory_space<vmem>>, vector<16xi32>,
      tpu.vector_store %arg9[%swap3A_1052, %swap3A_1053], %add3A_1047 {strides = array<i32>} : memref<200x128xi32, #tpu.memory_space<vmem>>, vector<16xi32>,
      %mul3A_1055 = arith.constant 8 : i32
      %mul3A_1056 = arith.muli %scan3A_41, %mul3A_1055 : i32
      %add3A_1057 = arith.constant 5 : i32
      %add3A_1058 = arith.addi %mul3A_1056, %add3A_1057 : i32
      %get3A_1059 = arith.index_cast %add3A_1058 : i32 to index
      %get3A_1060 = arith.constant 96 : index
      %get3A_1061 = tpu.vector_load %arg9[%get3A_1059, %get3A_1060] {strides = array<i32>} : memref<200x128xi32, #tpu.memory_space<vmem>>, vector<16xi32>,
      %mul3A_1062 = arith.constant 68 : i32
      %mul3A_1063 = vector.broadcast %mul3A_1062 : i32 to vector<16xi32>
      %mul3A_1064 = arith.muli %get3A_1061, %mul3A_1063 : vector<16xi32>
      %get3A_1065 = arith.constant 5 : i32
      %get3A_1066 = arith.index_cast %get3A_1065 : i32 to index
      %get3A_1067 = arith.constant 96 : index
      %get3A_1068 = tpu.vector_load %arg10[%get3A_1066, %get3A_1067] {strides = array<i32>} : memref<8x128xi32, #tpu.memory_space<vmem>>, vector<16xi32>,
      %add3A_1069 = arith.addi %mul3A_1064, %get3A_1068 : vector<16xi32>
      %mul3A_1070 = arith.constant 8 : i32
      %mul3A_1071 = arith.muli %scan3A_41, %mul3A_1070 : i32
      %add3A_1072 = arith.constant 5 : i32
      %add3A_1073 = arith.addi %mul3A_1071, %add3A_1072 : i32
      %swap3A_1074 = arith.index_cast %add3A_1073 : i32 to index
      %swap3A_1075 = arith.constant 96 : index
      %swap3A_1076 = tpu.vector_load %arg9[%swap3A_1074, %swap3A_1075] {strides = array<i32>} : memref<200x128xi32, #tpu.memory_space<vmem>>, vector<16xi32>,
      tpu.vector_store %arg9[%swap3A_1074, %swap3A_1075], %add3A_1069 {strides = array<i32>} : memref<200x128xi32, #tpu.memory_space<vmem>>, vector<16xi32>,
      %mul3A_1077 = arith.constant 8 : i32
      %mul3A_1078 = arith.muli %scan3A_41, %mul3A_1077 : i32
      %add3A_1079 = arith.constant 5 : i32
      %add3A_1080 = arith.addi %mul3A_1078, %add3A_1079 : i32
      %get3A_1081 = arith.index_cast %add3A_1080 : i32 to index
      %get3A_1082 = arith.constant 112 : index
      %get3A_1083 = tpu.vector_load %arg9[%get3A_1081, %get3A_1082] {strides = array<i32>} : memref<200x128xi32, #tpu.memory_space<vmem>>, vector<16xi32>,
      %mul3A_1084 = arith.constant 68 : i32
      %mul3A_1085 = vector.broadcast %mul3A_1084 : i32 to vector<16xi32>
      %mul3A_1086 = arith.muli %get3A_1083, %mul3A_1085 : vector<16xi32>
      %get3A_1087 = arith.constant 5 : i32
      %get3A_1088 = arith.index_cast %get3A_1087 : i32 to index
      %get3A_1089 = arith.constant 112 : index
      %get3A_1090 = tpu.vector_load %arg10[%get3A_1088, %get3A_1089] {strides = array<i32>} : memref<8x128xi32, #tpu.memory_space<vmem>>, vector<16xi32>,
      %add3A_1091 = arith.addi %mul3A_1086, %get3A_1090 : vector<16xi32>
      %mul3A_1092 = arith.constant 8 : i32
      %mul3A_1093 = arith.muli %scan3A_41, %mul3A_1092 : i32
      %add3A_1094 = arith.constant 5 : i32
      %add3A_1095 = arith.addi %mul3A_1093, %add3A_1094 : i32
      %swap3A_1096 = arith.index_cast %add3A_1095 : i32 to index
      %swap3A_1097 = arith.constant 112 : index
      %swap3A_1098 = tpu.vector_load %arg9[%swap3A_1096, %swap3A_1097] {strides = array<i32>} : memref<200x128xi32, #tpu.memory_space<vmem>>, vector<16xi32>,
      tpu.vector_store %arg9[%swap3A_1096, %swap3A_1097], %add3A_1091 {strides = array<i32>} : memref<200x128xi32, #tpu.memory_space<vmem>>, vector<16xi32>,
      %mul3A_1099 = arith.constant 8 : i32
      %mul3A_1100 = arith.muli %scan3A_41, %mul3A_1099 : i32
      %add3A_1101 = arith.constant 6 : i32
      %add3A_1102 = arith.addi %mul3A_1100, %add3A_1101 : i32
      %get3A_1103 = arith.index_cast %add3A_1102 : i32 to index
      %get3A_1104 = arith.constant 0 : index
      %get3A_1105 = tpu.vector_load %arg9[%get3A_1103, %get3A_1104] {strides = array<i32>} : memref<200x128xi32, #tpu.memory_space<vmem>>, vector<16xi32>,
      %mul3A_1106 = arith.constant 68 : i32
      %mul3A_1107 = vector.broadcast %mul3A_1106 : i32 to vector<16xi32>
      %mul3A_1108 = arith.muli %get3A_1105, %mul3A_1107 : vector<16xi32>
      %get3A_1109 = arith.constant 6 : i32
      %get3A_1110 = arith.index_cast %get3A_1109 : i32 to index
      %get3A_1111 = arith.constant 0 : index
      %get3A_1112 = tpu.vector_load %arg10[%get3A_1110, %get3A_1111] {strides = array<i32>} : memref<8x128xi32, #tpu.memory_space<vmem>>, vector<16xi32>,
      %add3A_1113 = arith.addi %mul3A_1108, %get3A_1112 : vector<16xi32>
      %mul3A_1114 = arith.constant 8 : i32
      %mul3A_1115 = arith.muli %scan3A_41, %mul3A_1114 : i32
      %add3A_1116 = arith.constant 6 : i32
      %add3A_1117 = arith.addi %mul3A_1115, %add3A_1116 : i32
      %swap3A_1118 = arith.index_cast %add3A_1117 : i32 to index
      %swap3A_1119 = arith.constant 0 : index
      %swap3A_1120 = tpu.vector_load %arg9[%swap3A_1118, %swap3A_1119] {strides = array<i32>} : memref<200x128xi32, #tpu.memory_space<vmem>>, vector<16xi32>,
      tpu.vector_store %arg9[%swap3A_1118, %swap3A_1119], %add3A_1113 {strides = array<i32>} : memref<200x128xi32, #tpu.memory_space<vmem>>, vector<16xi32>,
      %mul3A_1121 = arith.constant 8 : i32
      %mul3A_1122 = arith.muli %scan3A_41, %mul3A_1121 : i32
      %add3A_1123 = arith.constant 6 : i32
      %add3A_1124 = arith.addi %mul3A_1122, %add3A_1123 : i32
      %get3A_1125 = arith.index_cast %add3A_1124 : i32 to index
      %get3A_1126 = arith.constant 16 : index
      %get3A_1127 = tpu.vector_load %arg9[%get3A_1125, %get3A_1126] {strides = array<i32>} : memref<200x128xi32, #tpu.memory_space<vmem>>, vector<16xi32>,
      %mul3A_1128 = arith.constant 68 : i32
      %mul3A_1129 = vector.broadcast %mul3A_1128 : i32 to vector<16xi32>
      %mul3A_1130 = arith.muli %get3A_1127, %mul3A_1129 : vector<16xi32>
      %get3A_1131 = arith.constant 6 : i32
      %get3A_1132 = arith.index_cast %get3A_1131 : i32 to index
      %get3A_1133 = arith.constant 16 : index
      %get3A_1134 = tpu.vector_load %arg10[%get3A_1132, %get3A_1133] {strides = array<i32>} : memref<8x128xi32, #tpu.memory_space<vmem>>, vector<16xi32>,
      %add3A_1135 = arith.addi %mul3A_1130, %get3A_1134 : vector<16xi32>
      %mul3A_1136 = arith.constant 8 : i32
      %mul3A_1137 = arith.muli %scan3A_41, %mul3A_1136 : i32
      %add3A_1138 = arith.constant 6 : i32
      %add3A_1139 = arith.addi %mul3A_1137, %add3A_1138 : i32
      %swap3A_1140 = arith.index_cast %add3A_1139 : i32 to index
      %swap3A_1141 = arith.constant 16 : index
      %swap3A_1142 = tpu.vector_load %arg9[%swap3A_1140, %swap3A_1141] {strides = array<i32>} : memref<200x128xi32, #tpu.memory_space<vmem>>, vector<16xi32>,
      tpu.vector_store %arg9[%swap3A_1140, %swap3A_1141], %add3A_1135 {strides = array<i32>} : memref<200x128xi32, #tpu.memory_space<vmem>>, vector<16xi32>,
      %mul3A_1143 = arith.constant 8 : i32
      %mul3A_1144 = arith.muli %scan3A_41, %mul3A_1143 : i32
      %add3A_1145 = arith.constant 6 : i32
      %add3A_1146 = arith.addi %mul3A_1144, %add3A_1145 : i32
      %get3A_1147 = arith.index_cast %add3A_1146 : i32 to index
      %get3A_1148 = arith.constant 32 : index
      %get3A_1149 = tpu.vector_load %arg9[%get3A_1147, %get3A_1148] {strides = array<i32>} : memref<200x128xi32, #tpu.memory_space<vmem>>, vector<16xi32>,
      %mul3A_1150 = arith.constant 68 : i32
      %mul3A_1151 = vector.broadcast %mul3A_1150 : i32 to vector<16xi32>
      %mul3A_1152 = arith.muli %get3A_1149, %mul3A_1151 : vector<16xi32>
      %get3A_1153 = arith.constant 6 : i32
      %get3A_1154 = arith.index_cast %get3A_1153 : i32 to index
      %get3A_1155 = arith.constant 32 : index
      %get3A_1156 = tpu.vector_load %arg10[%get3A_1154, %get3A_1155] {strides = array<i32>} : memref<8x128xi32, #tpu.memory_space<vmem>>, vector<16xi32>,
      %add3A_1157 = arith.addi %mul3A_1152, %get3A_1156 : vector<16xi32>
      %mul3A_1158 = arith.constant 8 : i32
      %mul3A_1159 = arith.muli %scan3A_41, %mul3A_1158 : i32
      %add3A_1160 = arith.constant 6 : i32
      %add3A_1161 = arith.addi %mul3A_1159, %add3A_1160 : i32
      %swap3A_1162 = arith.index_cast %add3A_1161 : i32 to index
      %swap3A_1163 = arith.constant 32 : index
      %swap3A_1164 = tpu.vector_load %arg9[%swap3A_1162, %swap3A_1163] {strides = array<i32>} : memref<200x128xi32, #tpu.memory_space<vmem>>, vector<16xi32>,
      tpu.vector_store %arg9[%swap3A_1162, %swap3A_1163], %add3A_1157 {strides = array<i32>} : memref<200x128xi32, #tpu.memory_space<vmem>>, vector<16xi32>,
      %mul3A_1165 = arith.constant 8 : i32
      %mul3A_1166 = arith.muli %scan3A_41, %mul3A_1165 : i32
      %add3A_1167 = arith.constant 6 : i32
      %add3A_1168 = arith.addi %mul3A_1166, %add3A_1167 : i32
      %get3A_1169 = arith.index_cast %add3A_1168 : i32 to index
      %get3A_1170 = arith.constant 48 : index
      %get3A_1171 = tpu.vector_load %arg9[%get3A_1169, %get3A_1170] {strides = array<i32>} : memref<200x128xi32, #tpu.memory_space<vmem>>, vector<16xi32>,
      %mul3A_1172 = arith.constant 68 : i32
      %mul3A_1173 = vector.broadcast %mul3A_1172 : i32 to vector<16xi32>
      %mul3A_1174 = arith.muli %get3A_1171, %mul3A_1173 : vector<16xi32>
      %get3A_1175 = arith.constant 6 : i32
      %get3A_1176 = arith.index_cast %get3A_1175 : i32 to index
      %get3A_1177 = arith.constant 48 : index
      %get3A_1178 = tpu.vector_load %arg10[%get3A_1176, %get3A_1177] {strides = array<i32>} : memref<8x128xi32, #tpu.memory_space<vmem>>, vector<16xi32>,
      %add3A_1179 = arith.addi %mul3A_1174, %get3A_1178 : vector<16xi32>
      %mul3A_1180 = arith.constant 8 : i32
      %mul3A_1181 = arith.muli %scan3A_41, %mul3A_1180 : i32
      %add3A_1182 = arith.constant 6 : i32
      %add3A_1183 = arith.addi %mul3A_1181, %add3A_1182 : i32
      %swap3A_1184 = arith.index_cast %add3A_1183 : i32 to index
      %swap3A_1185 = arith.constant 48 : index
      %swap3A_1186 = tpu.vector_load %arg9[%swap3A_1184, %swap3A_1185] {strides = array<i32>} : memref<200x128xi32, #tpu.memory_space<vmem>>, vector<16xi32>,
      tpu.vector_store %arg9[%swap3A_1184, %swap3A_1185], %add3A_1179 {strides = array<i32>} : memref<200x128xi32, #tpu.memory_space<vmem>>, vector<16xi32>,
      %mul3A_1187 = arith.constant 8 : i32
      %mul3A_1188 = arith.muli %scan3A_41, %mul3A_1187 : i32
      %add3A_1189 = arith.constant 6 : i32
      %add3A_1190 = arith.addi %mul3A_1188, %add3A_1189 : i32
      %get3A_1191 = arith.index_cast %add3A_1190 : i32 to index
      %get3A_1192 = arith.constant 64 : index
      %get3A_1193 = tpu.vector_load %arg9[%get3A_1191, %get3A_1192] {strides = array<i32>} : memref<200x128xi32, #tpu.memory_space<vmem>>, vector<16xi32>,
      %mul3A_1194 = arith.constant 68 : i32
      %mul3A_1195 = vector.broadcast %mul3A_1194 : i32 to vector<16xi32>
      %mul3A_1196 = arith.muli %get3A_1193, %mul3A_1195 : vector<16xi32>
      %get3A_1197 = arith.constant 6 : i32
      %get3A_1198 = arith.index_cast %get3A_1197 : i32 to index
      %get3A_1199 = arith.constant 64 : index
      %get3A_1200 = tpu.vector_load %arg10[%get3A_1198, %get3A_1199] {strides = array<i32>} : memref<8x128xi32, #tpu.memory_space<vmem>>, vector<16xi32>,
      %add3A_1201 = arith.addi %mul3A_1196, %get3A_1200 : vector<16xi32>
      %mul3A_1202 = arith.constant 8 : i32
      %mul3A_1203 = arith.muli %scan3A_41, %mul3A_1202 : i32
      %add3A_1204 = arith.constant 6 : i32
      %add3A_1205 = arith.addi %mul3A_1203, %add3A_1204 : i32
      %swap3A_1206 = arith.index_cast %add3A_1205 : i32 to index
      %swap3A_1207 = arith.constant 64 : index
      %swap3A_1208 = tpu.vector_load %arg9[%swap3A_1206, %swap3A_1207] {strides = array<i32>} : memref<200x128xi32, #tpu.memory_space<vmem>>, vector<16xi32>,
      tpu.vector_store %arg9[%swap3A_1206, %swap3A_1207], %add3A_1201 {strides = array<i32>} : memref<200x128xi32, #tpu.memory_space<vmem>>, vector<16xi32>,
      %mul3A_1209 = arith.constant 8 : i32
      %mul3A_1210 = arith.muli %scan3A_41, %mul3A_1209 : i32
      %add3A_1211 = arith.constant 6 : i32
      %add3A_1212 = arith.addi %mul3A_1210, %add3A_1211 : i32
      %get3A_1213 = arith.index_cast %add3A_1212 : i32 to index
      %get3A_1214 = arith.constant 80 : index
      %get3A_1215 = tpu.vector_load %arg9[%get3A_1213, %get3A_1214] {strides = array<i32>} : memref<200x128xi32, #tpu.memory_space<vmem>>, vector<16xi32>,
      %mul3A_1216 = arith.constant 68 : i32
      %mul3A_1217 = vector.broadcast %mul3A_1216 : i32 to vector<16xi32>
      %mul3A_1218 = arith.muli %get3A_1215, %mul3A_1217 : vector<16xi32>
      %get3A_1219 = arith.constant 6 : i32
      %get3A_1220 = arith.index_cast %get3A_1219 : i32 to index
      %get3A_1221 = arith.constant 80 : index
      %get3A_1222 = tpu.vector_load %arg10[%get3A_1220, %get3A_1221] {strides = array<i32>} : memref<8x128xi32, #tpu.memory_space<vmem>>, vector<16xi32>,
      %add3A_1223 = arith.addi %mul3A_1218, %get3A_1222 : vector<16xi32>
      %mul3A_1224 = arith.constant 8 : i32
      %mul3A_1225 = arith.muli %scan3A_41, %mul3A_1224 : i32
      %add3A_1226 = arith.constant 6 : i32
      %add3A_1227 = arith.addi %mul3A_1225, %add3A_1226 : i32
      %swap3A_1228 = arith.index_cast %add3A_1227 : i32 to index
      %swap3A_1229 = arith.constant 80 : index
      %swap3A_1230 = tpu.vector_load %arg9[%swap3A_1228, %swap3A_1229] {strides = array<i32>} : memref<200x128xi32, #tpu.memory_space<vmem>>, vector<16xi32>,
      tpu.vector_store %arg9[%swap3A_1228, %swap3A_1229], %add3A_1223 {strides = array<i32>} : memref<200x128xi32, #tpu.memory_space<vmem>>, vector<16xi32>,
      %mul3A_1231 = arith.constant 8 : i32
      %mul3A_1232 = arith.muli %scan3A_41, %mul3A_1231 : i32
      %add3A_1233 = arith.constant 6 : i32
      %add3A_1234 = arith.addi %mul3A_1232, %add3A_1233 : i32
      %get3A_1235 = arith.index_cast %add3A_1234 : i32 to index
      %get3A_1236 = arith.constant 96 : index
      %get3A_1237 = tpu.vector_load %arg9[%get3A_1235, %get3A_1236] {strides = array<i32>} : memref<200x128xi32, #tpu.memory_space<vmem>>, vector<16xi32>,
      %mul3A_1238 = arith.constant 68 : i32
      %mul3A_1239 = vector.broadcast %mul3A_1238 : i32 to vector<16xi32>
      %mul3A_1240 = arith.muli %get3A_1237, %mul3A_1239 : vector<16xi32>
      %get3A_1241 = arith.constant 6 : i32
      %get3A_1242 = arith.index_cast %get3A_1241 : i32 to index
      %get3A_1243 = arith.constant 96 : index
      %get3A_1244 = tpu.vector_load %arg10[%get3A_1242, %get3A_1243] {strides = array<i32>} : memref<8x128xi32, #tpu.memory_space<vmem>>, vector<16xi32>,
      %add3A_1245 = arith.addi %mul3A_1240, %get3A_1244 : vector<16xi32>
      %mul3A_1246 = arith.constant 8 : i32
      %mul3A_1247 = arith.muli %scan3A_41, %mul3A_1246 : i32
      %add3A_1248 = arith.constant 6 : i32
      %add3A_1249 = arith.addi %mul3A_1247, %add3A_1248 : i32
      %swap3A_1250 = arith.index_cast %add3A_1249 : i32 to index
      %swap3A_1251 = arith.constant 96 : index
      %swap3A_1252 = tpu.vector_load %arg9[%swap3A_1250, %swap3A_1251] {strides = array<i32>} : memref<200x128xi32, #tpu.memory_space<vmem>>, vector<16xi32>,
      tpu.vector_store %arg9[%swap3A_1250, %swap3A_1251], %add3A_1245 {strides = array<i32>} : memref<200x128xi32, #tpu.memory_space<vmem>>, vector<16xi32>,
      %mul3A_1253 = arith.constant 8 : i32
      %mul3A_1254 = arith.muli %scan3A_41, %mul3A_1253 : i32
      %add3A_1255 = arith.constant 6 : i32
      %add3A_1256 = arith.addi %mul3A_1254, %add3A_1255 : i32
      %get3A_1257 = arith.index_cast %add3A_1256 : i32 to index
      %get3A_1258 = arith.constant 112 : index
      %get3A_1259 = tpu.vector_load %arg9[%get3A_1257, %get3A_1258] {strides = array<i32>} : memref<200x128xi32, #tpu.memory_space<vmem>>, vector<16xi32>,
      %mul3A_1260 = arith.constant 68 : i32
      %mul3A_1261 = vector.broadcast %mul3A_1260 : i32 to vector<16xi32>
      %mul3A_1262 = arith.muli %get3A_1259, %mul3A_1261 : vector<16xi32>
      %get3A_1263 = arith.constant 6 : i32
      %get3A_1264 = arith.index_cast %get3A_1263 : i32 to index
      %get3A_1265 = arith.constant 112 : index
      %get3A_1266 = tpu.vector_load %arg10[%get3A_1264, %get3A_1265] {strides = array<i32>} : memref<8x128xi32, #tpu.memory_space<vmem>>, vector<16xi32>,
      %add3A_1267 = arith.addi %mul3A_1262, %get3A_1266 : vector<16xi32>
      %mul3A_1268 = arith.constant 8 : i32
      %mul3A_1269 = arith.muli %scan3A_41, %mul3A_1268 : i32
      %add3A_1270 = arith.constant 6 : i32
      %add3A_1271 = arith.addi %mul3A_1269, %add3A_1270 : i32
      %swap3A_1272 = arith.index_cast %add3A_1271 : i32 to index
      %swap3A_1273 = arith.constant 112 : index
      %swap3A_1274 = tpu.vector_load %arg9[%swap3A_1272, %swap3A_1273] {strides = array<i32>} : memref<200x128xi32, #tpu.memory_space<vmem>>, vector<16xi32>,
      tpu.vector_store %arg9[%swap3A_1272, %swap3A_1273], %add3A_1267 {strides = array<i32>} : memref<200x128xi32, #tpu.memory_space<vmem>>, vector<16xi32>,
      %mul3A_1275 = arith.constant 8 : i32
      %mul3A_1276 = arith.muli %scan3A_41, %mul3A_1275 : i32
      %add3A_1277 = arith.constant 7 : i32
      %add3A_1278 = arith.addi %mul3A_1276, %add3A_1277 : i32
      %get3A_1279 = arith.index_cast %add3A_1278 : i32 to index
      %get3A_1280 = arith.constant 0 : index
      %get3A_1281 = tpu.vector_load %arg9[%get3A_1279, %get3A_1280] {strides = array<i32>} : memref<200x128xi32, #tpu.memory_space<vmem>>, vector<16xi32>,
      %mul3A_1282 = arith.constant 68 : i32
      %mul3A_1283 = vector.broadcast %mul3A_1282 : i32 to vector<16xi32>
      %mul3A_1284 = arith.muli %get3A_1281, %mul3A_1283 : vector<16xi32>
      %get3A_1285 = arith.constant 7 : i32
      %get3A_1286 = arith.index_cast %get3A_1285 : i32 to index
      %get3A_1287 = arith.constant 0 : index
      %get3A_1288 = tpu.vector_load %arg10[%get3A_1286, %get3A_1287] {strides = array<i32>} : memref<8x128xi32, #tpu.memory_space<vmem>>, vector<16xi32>,
      %add3A_1289 = arith.addi %mul3A_1284, %get3A_1288 : vector<16xi32>
      %mul3A_1290 = arith.constant 8 : i32
      %mul3A_1291 = arith.muli %scan3A_41, %mul3A_1290 : i32
      %add3A_1292 = arith.constant 7 : i32
      %add3A_1293 = arith.addi %mul3A_1291, %add3A_1292 : i32
      %swap3A_1294 = arith.index_cast %add3A_1293 : i32 to index
      %swap3A_1295 = arith.constant 0 : index
      %swap3A_1296 = tpu.vector_load %arg9[%swap3A_1294, %swap3A_1295] {strides = array<i32>} : memref<200x128xi32, #tpu.memory_space<vmem>>, vector<16xi32>,
      tpu.vector_store %arg9[%swap3A_1294, %swap3A_1295], %add3A_1289 {strides = array<i32>} : memref<200x128xi32, #tpu.memory_space<vmem>>, vector<16xi32>,
      %mul3A_1297 = arith.constant 8 : i32
      %mul3A_1298 = arith.muli %scan3A_41, %mul3A_1297 : i32
      %add3A_1299 = arith.constant 7 : i32
      %add3A_1300 = arith.addi %mul3A_1298, %add3A_1299 : i32
      %get3A_1301 = arith.index_cast %add3A_1300 : i32 to index
      %get3A_1302 = arith.constant 16 : index
      %get3A_1303 = tpu.vector_load %arg9[%get3A_1301, %get3A_1302] {strides = array<i32>} : memref<200x128xi32, #tpu.memory_space<vmem>>, vector<16xi32>,
      %mul3A_1304 = arith.constant 68 : i32
      %mul3A_1305 = vector.broadcast %mul3A_1304 : i32 to vector<16xi32>
      %mul3A_1306 = arith.muli %get3A_1303, %mul3A_1305 : vector<16xi32>
      %get3A_1307 = arith.constant 7 : i32
      %get3A_1308 = arith.index_cast %get3A_1307 : i32 to index
      %get3A_1309 = arith.constant 16 : index
      %get3A_1310 = tpu.vector_load %arg10[%get3A_1308, %get3A_1309] {strides = array<i32>} : memref<8x128xi32, #tpu.memory_space<vmem>>, vector<16xi32>,
      %add3A_1311 = arith.addi %mul3A_1306, %get3A_1310 : vector<16xi32>
      %mul3A_1312 = arith.constant 8 : i32
      %mul3A_1313 = arith.muli %scan3A_41, %mul3A_1312 : i32
      %add3A_1314 = arith.constant 7 : i32
      %add3A_1315 = arith.addi %mul3A_1313, %add3A_1314 : i32
      %swap3A_1316 = arith.index_cast %add3A_1315 : i32 to index
      %swap3A_1317 = arith.constant 16 : index
      %swap3A_1318 = tpu.vector_load %arg9[%swap3A_1316, %swap3A_1317] {strides = array<i32>} : memref<200x128xi32, #tpu.memory_space<vmem>>, vector<16xi32>,
      tpu.vector_store %arg9[%swap3A_1316, %swap3A_1317], %add3A_1311 {strides = array<i32>} : memref<200x128xi32, #tpu.memory_space<vmem>>, vector<16xi32>,
      %mul3A_1319 = arith.constant 8 : i32
      %mul3A_1320 = arith.muli %scan3A_41, %mul3A_1319 : i32
      %add3A_1321 = arith.constant 7 : i32
      %add3A_1322 = arith.addi %mul3A_1320, %add3A_1321 : i32
      %get3A_1323 = arith.index_cast %add3A_1322 : i32 to index
      %get3A_1324 = arith.constant 32 : index
      %get3A_1325 = tpu.vector_load %arg9[%get3A_1323, %get3A_1324] {strides = array<i32>} : memref<200x128xi32, #tpu.memory_space<vmem>>, vector<16xi32>,
      %mul3A_1326 = arith.constant 68 : i32
      %mul3A_1327 = vector.broadcast %mul3A_1326 : i32 to vector<16xi32>
      %mul3A_1328 = arith.muli %get3A_1325, %mul3A_1327 : vector<16xi32>
      %get3A_1329 = arith.constant 7 : i32
      %get3A_1330 = arith.index_cast %get3A_1329 : i32 to index
      %get3A_1331 = arith.constant 32 : index
      %get3A_1332 = tpu.vector_load %arg10[%get3A_1330, %get3A_1331] {strides = array<i32>} : memref<8x128xi32, #tpu.memory_space<vmem>>, vector<16xi32>,
      %add3A_1333 = arith.addi %mul3A_1328, %get3A_1332 : vector<16xi32>
      %mul3A_1334 = arith.constant 8 : i32
      %mul3A_1335 = arith.muli %scan3A_41, %mul3A_1334 : i32
      %add3A_1336 = arith.constant 7 : i32
      %add3A_1337 = arith.addi %mul3A_1335, %add3A_1336 : i32
      %swap3A_1338 = arith.index_cast %add3A_1337 : i32 to index
      %swap3A_1339 = arith.constant 32 : index
      %swap3A_1340 = tpu.vector_load %arg9[%swap3A_1338, %swap3A_1339] {strides = array<i32>} : memref<200x128xi32, #tpu.memory_space<vmem>>, vector<16xi32>,
      tpu.vector_store %arg9[%swap3A_1338, %swap3A_1339], %add3A_1333 {strides = array<i32>} : memref<200x128xi32, #tpu.memory_space<vmem>>, vector<16xi32>,
      %mul3A_1341 = arith.constant 8 : i32
      %mul3A_1342 = arith.muli %scan3A_41, %mul3A_1341 : i32
      %add3A_1343 = arith.constant 7 : i32
      %add3A_1344 = arith.addi %mul3A_1342, %add3A_1343 : i32
      %get3A_1345 = arith.index_cast %add3A_1344 : i32 to index
      %get3A_1346 = arith.constant 48 : index
      %get3A_1347 = tpu.vector_load %arg9[%get3A_1345, %get3A_1346] {strides = array<i32>} : memref<200x128xi32, #tpu.memory_space<vmem>>, vector<16xi32>,
      %mul3A_1348 = arith.constant 68 : i32
      %mul3A_1349 = vector.broadcast %mul3A_1348 : i32 to vector<16xi32>
      %mul3A_1350 = arith.muli %get3A_1347, %mul3A_1349 : vector<16xi32>
      %get3A_1351 = arith.constant 7 : i32
      %get3A_1352 = arith.index_cast %get3A_1351 : i32 to index
      %get3A_1353 = arith.constant 48 : index
      %get3A_1354 = tpu.vector_load %arg10[%get3A_1352, %get3A_1353] {strides = array<i32>} : memref<8x128xi32, #tpu.memory_space<vmem>>, vector<16xi32>,
      %add3A_1355 = arith.addi %mul3A_1350, %get3A_1354 : vector<16xi32>
      %mul3A_1356 = arith.constant 8 : i32
      %mul3A_1357 = arith.muli %scan3A_41, %mul3A_1356 : i32
      %add3A_1358 = arith.constant 7 : i32
      %add3A_1359 = arith.addi %mul3A_1357, %add3A_1358 : i32
      %swap3A_1360 = arith.index_cast %add3A_1359 : i32 to index
      %swap3A_1361 = arith.constant 48 : index
      %swap3A_1362 = tpu.vector_load %arg9[%swap3A_1360, %swap3A_1361] {strides = array<i32>} : memref<200x128xi32, #tpu.memory_space<vmem>>, vector<16xi32>,
      tpu.vector_store %arg9[%swap3A_1360, %swap3A_1361], %add3A_1355 {strides = array<i32>} : memref<200x128xi32, #tpu.memory_space<vmem>>, vector<16xi32>,
      %mul3A_1363 = arith.constant 8 : i32
      %mul3A_1364 = arith.muli %scan3A_41, %mul3A_1363 : i32
      %add3A_1365 = arith.constant 7 : i32
      %add3A_1366 = arith.addi %mul3A_1364, %add3A_1365 : i32
      %get3A_1367 = arith.index_cast %add3A_1366 : i32 to index
      %get3A_1368 = arith.constant 64 : index
      %get3A_1369 = tpu.vector_load %arg9[%get3A_1367, %get3A_1368] {strides = array<i32>} : memref<200x128xi32, #tpu.memory_space<vmem>>, vector<16xi32>,
      %mul3A_1370 = arith.constant 68 : i32
      %mul3A_1371 = vector.broadcast %mul3A_1370 : i32 to vector<16xi32>
      %mul3A_1372 = arith.muli %get3A_1369, %mul3A_1371 : vector<16xi32>
      %get3A_1373 = arith.constant 7 : i32
      %get3A_1374 = arith.index_cast %get3A_1373 : i32 to index
      %get3A_1375 = arith.constant 64 : index
      %get3A_1376 = tpu.vector_load %arg10[%get3A_1374, %get3A_1375] {strides = array<i32>} : memref<8x128xi32, #tpu.memory_space<vmem>>, vector<16xi32>,
      %add3A_1377 = arith.addi %mul3A_1372, %get3A_1376 : vector<16xi32>
      %mul3A_1378 = arith.constant 8 : i32
      %mul3A_1379 = arith.muli %scan3A_41, %mul3A_1378 : i32
      %add3A_1380 = arith.constant 7 : i32
      %add3A_1381 = arith.addi %mul3A_1379, %add3A_1380 : i32
      %swap3A_1382 = arith.index_cast %add3A_1381 : i32 to index
      %swap3A_1383 = arith.constant 64 : index
      %swap3A_1384 = tpu.vector_load %arg9[%swap3A_1382, %swap3A_1383] {strides = array<i32>} : memref<200x128xi32, #tpu.memory_space<vmem>>, vector<16xi32>,
      tpu.vector_store %arg9[%swap3A_1382, %swap3A_1383], %add3A_1377 {strides = array<i32>} : memref<200x128xi32, #tpu.memory_space<vmem>>, vector<16xi32>,
      %mul3A_1385 = arith.constant 8 : i32
      %mul3A_1386 = arith.muli %scan3A_41, %mul3A_1385 : i32
      %add3A_1387 = arith.constant 7 : i32
      %add3A_1388 = arith.addi %mul3A_1386, %add3A_1387 : i32
      %get3A_1389 = arith.index_cast %add3A_1388 : i32 to index
      %get3A_1390 = arith.constant 80 : index
      %get3A_1391 = tpu.vector_load %arg9[%get3A_1389, %get3A_1390] {strides = array<i32>} : memref<200x128xi32, #tpu.memory_space<vmem>>, vector<16xi32>,
      %mul3A_1392 = arith.constant 68 : i32
      %mul3A_1393 = vector.broadcast %mul3A_1392 : i32 to vector<16xi32>
      %mul3A_1394 = arith.muli %get3A_1391, %mul3A_1393 : vector<16xi32>
      %get3A_1395 = arith.constant 7 : i32
      %get3A_1396 = arith.index_cast %get3A_1395 : i32 to index
      %get3A_1397 = arith.constant 80 : index
      %get3A_1398 = tpu.vector_load %arg10[%get3A_1396, %get3A_1397] {strides = array<i32>} : memref<8x128xi32, #tpu.memory_space<vmem>>, vector<16xi32>,
      %add3A_1399 = arith.addi %mul3A_1394, %get3A_1398 : vector<16xi32>
      %mul3A_1400 = arith.constant 8 : i32
      %mul3A_1401 = arith.muli %scan3A_41, %mul3A_1400 : i32
      %add3A_1402 = arith.constant 7 : i32
      %add3A_1403 = arith.addi %mul3A_1401, %add3A_1402 : i32
      %swap3A_1404 = arith.index_cast %add3A_1403 : i32 to index
      %swap3A_1405 = arith.constant 80 : index
      %swap3A_1406 = tpu.vector_load %arg9[%swap3A_1404, %swap3A_1405] {strides = array<i32>} : memref<200x128xi32, #tpu.memory_space<vmem>>, vector<16xi32>,
      tpu.vector_store %arg9[%swap3A_1404, %swap3A_1405], %add3A_1399 {strides = array<i32>} : memref<200x128xi32, #tpu.memory_space<vmem>>, vector<16xi32>,
      %mul3A_1407 = arith.constant 8 : i32
      %mul3A_1408 = arith.muli %scan3A_41, %mul3A_1407 : i32
      %add3A_1409 = arith.constant 7 : i32
      %add3A_1410 = arith.addi %mul3A_1408, %add3A_1409 : i32
      %get3A_1411 = arith.index_cast %add3A_1410 : i32 to index
      %get3A_1412 = arith.constant 96 : index
      %get3A_1413 = tpu.vector_load %arg9[%get3A_1411, %get3A_1412] {strides = array<i32>} : memref<200x128xi32, #tpu.memory_space<vmem>>, vector<16xi32>,
      %mul3A_1414 = arith.constant 68 : i32
      %mul3A_1415 = vector.broadcast %mul3A_1414 : i32 to vector<16xi32>
      %mul3A_1416 = arith.muli %get3A_1413, %mul3A_1415 : vector<16xi32>
      %get3A_1417 = arith.constant 7 : i32
      %get3A_1418 = arith.index_cast %get3A_1417 : i32 to index
      %get3A_1419 = arith.constant 96 : index
      %get3A_1420 = tpu.vector_load %arg10[%get3A_1418, %get3A_1419] {strides = array<i32>} : memref<8x128xi32, #tpu.memory_space<vmem>>, vector<16xi32>,
      %add3A_1421 = arith.addi %mul3A_1416, %get3A_1420 : vector<16xi32>
      %mul3A_1422 = arith.constant 8 : i32
      %mul3A_1423 = arith.muli %scan3A_41, %mul3A_1422 : i32
      %add3A_1424 = arith.constant 7 : i32
      %add3A_1425 = arith.addi %mul3A_1423, %add3A_1424 : i32
      %swap3A_1426 = arith.index_cast %add3A_1425 : i32 to index
      %swap3A_1427 = arith.constant 96 : index
      %swap3A_1428 = tpu.vector_load %arg9[%swap3A_1426, %swap3A_1427] {strides = array<i32>} : memref<200x128xi32, #tpu.memory_space<vmem>>, vector<16xi32>,
      tpu.vector_store %arg9[%swap3A_1426, %swap3A_1427], %add3A_1421 {strides = array<i32>} : memref<200x128xi32, #tpu.memory_space<vmem>>, vector<16xi32>,
      %mul3A_1429 = arith.constant 8 : i32
      %mul3A_1430 = arith.muli %scan3A_41, %mul3A_1429 : i32
      %add3A_1431 = arith.constant 7 : i32
      %add3A_1432 = arith.addi %mul3A_1430, %add3A_1431 : i32
      %get3A_1433 = arith.index_cast %add3A_1432 : i32 to index
      %get3A_1434 = arith.constant 112 : index
      %get3A_1435 = tpu.vector_load %arg9[%get3A_1433, %get3A_1434] {strides = array<i32>} : memref<200x128xi32, #tpu.memory_space<vmem>>, vector<16xi32>,
      %mul3A_1436 = arith.constant 68 : i32
      %mul3A_1437 = vector.broadcast %mul3A_1436 : i32 to vector<16xi32>
      %mul3A_1438 = arith.muli %get3A_1435, %mul3A_1437 : vector<16xi32>
      %get3A_1439 = arith.constant 7 : i32
      %get3A_1440 = arith.index_cast %get3A_1439 : i32 to index
      %get3A_1441 = arith.constant 112 : index
      %get3A_1442 = tpu.vector_load %arg10[%get3A_1440, %get3A_1441] {strides = array<i32>} : memref<8x128xi32, #tpu.memory_space<vmem>>, vector<16xi32>,
      %add3A_1443 = arith.addi %mul3A_1438, %get3A_1442 : vector<16xi32>
      %mul3A_1444 = arith.constant 8 : i32
      %mul3A_1445 = arith.muli %scan3A_41, %mul3A_1444 : i32
      %add3A_1446 = arith.constant 7 : i32
      %add3A_1447 = arith.addi %mul3A_1445, %add3A_1446 : i32
      %swap3A_1448 = arith.index_cast %add3A_1447 : i32 to index
      %swap3A_1449 = arith.constant 112 : index
      %swap3A_1450 = tpu.vector_load %arg9[%swap3A_1448, %swap3A_1449] {strides = array<i32>} : memref<200x128xi32, #tpu.memory_space<vmem>>, vector<16xi32>,
      tpu.vector_store %arg9[%swap3A_1448, %swap3A_1449], %add3A_1443 {strides = array<i32>} : memref<200x128xi32, #tpu.memory_space<vmem>>, vector<16xi32>,
    }
    %scan3A_8 = arith.constant 25 : i32
    %dma_start3A = arith.constant 0 : i32
    %dma_start3A_9 = arith.constant 0 : i32
    %dma_start3A_10 = tpu.memref_slice %arg8[%dma_start3A, %dma_start3A_9] : memref<200x128xi32, #tpu.memory_space<vmem>> -> memref<1x128xi32, #tpu.memory_space<vmem>>
    %dma_start3A_11 = tpu.memref_squeeze %dma_start3A_10 : memref<1x128xi32, #tpu.memory_space<vmem>> -> memref<128xi32, #tpu.memory_space<vmem>>
    %dma_start3A_12 = arith.constant 0 : i32
    %dma_start3A_13 = arith.constant 0 : i32
    %dma_start3A_14 = tpu.memref_slice %arg2[%dma_start3A_12, %dma_start3A_13] : memref<100000x128xf32, #tpu.memory_space<hbm>> -> memref<100000x128xf32, #tpu.memory_space<hbm>>
    tpu.enqueue_indirect_dma source(%dma_start3A_14 : memref<100000x128xf32, #tpu.memory_space<hbm>>) target(%arg11 : memref<128x128xf32, #tpu.memory_space<vmem>>) offsets(%dma_start3A_11 : memref<128xi32, #tpu.memory_space<vmem>>) semaphore(%arg15 : memref<!tpu.dma_semaphore, #tpu.memory_space<semaphore_mem>>)
    %dma_start3A_15 = arith.constant 1 : i32
    %dma_start3A_16 = arith.constant 0 : i32
    %dma_start3A_17 = tpu.memref_slice %arg8[%dma_start3A_15, %dma_start3A_16] : memref<200x128xi32, #tpu.memory_space<vmem>> -> memref<1x128xi32, #tpu.memory_space<vmem>>
    %dma_start3A_18 = tpu.memref_squeeze %dma_start3A_17 : memref<1x128xi32, #tpu.memory_space<vmem>> -> memref<128xi32, #tpu.memory_space<vmem>>
    %dma_start3A_19 = arith.constant 0 : i32
    %dma_start3A_20 = arith.constant 0 : i32
    %dma_start3A_21 = tpu.memref_slice %arg2[%dma_start3A_19, %dma_start3A_20] : memref<100000x128xf32, #tpu.memory_space<hbm>> -> memref<100000x128xf32, #tpu.memory_space<hbm>>
    tpu.enqueue_indirect_dma source(%dma_start3A_21 : memref<100000x128xf32, #tpu.memory_space<hbm>>) target(%arg12 : memref<128x128xf32, #tpu.memory_space<vmem>>) offsets(%dma_start3A_18 : memref<128xi32, #tpu.memory_space<vmem>>) semaphore(%arg16 : memref<!tpu.dma_semaphore, #tpu.memory_space<semaphore_mem>>)
    %dma_start3A_22 = arith.constant 2 : i32
    %dma_start3A_23 = arith.constant 0 : i32
    %dma_start3A_24 = tpu.memref_slice %arg8[%dma_start3A_22, %dma_start3A_23] : memref<200x128xi32, #tpu.memory_space<vmem>> -> memref<1x128xi32, #tpu.memory_space<vmem>>
    %dma_start3A_25 = tpu.memref_squeeze %dma_start3A_24 : memref<1x128xi32, #tpu.memory_space<vmem>> -> memref<128xi32, #tpu.memory_space<vmem>>
    %dma_start3A_26 = arith.constant 0 : i32
    %dma_start3A_27 = arith.constant 0 : i32
    %dma_start3A_28 = tpu.memref_slice %arg2[%dma_start3A_26, %dma_start3A_27] : memref<100000x128xf32, #tpu.memory_space<hbm>> -> memref<100000x128xf32, #tpu.memory_space<hbm>>
    tpu.enqueue_indirect_dma source(%dma_start3A_28 : memref<100000x128xf32, #tpu.memory_space<hbm>>) target(%arg13 : memref<128x128xf32, #tpu.memory_space<vmem>>) offsets(%dma_start3A_25 : memref<128xi32, #tpu.memory_space<vmem>>) semaphore(%arg17 : memref<!tpu.dma_semaphore, #tpu.memory_space<semaphore_mem>>)
    %dma_start3A_29 = arith.constant 3 : i32
    %dma_start3A_30 = arith.constant 0 : i32
    %dma_start3A_31 = tpu.memref_slice %arg8[%dma_start3A_29, %dma_start3A_30] : memref<200x128xi32, #tpu.memory_space<vmem>> -> memref<1x128xi32, #tpu.memory_space<vmem>>
    %dma_start3A_32 = tpu.memref_squeeze %dma_start3A_31 : memref<1x128xi32, #tpu.memory_space<vmem>> -> memref<128xi32, #tpu.memory_space<vmem>>
    %dma_start3A_33 = arith.constant 0 : i32
    %dma_start3A_34 = arith.constant 0 : i32
    %dma_start3A_35 = tpu.memref_slice %arg2[%dma_start3A_33, %dma_start3A_34] : memref<100000x128xf32, #tpu.memory_space<hbm>> -> memref<100000x128xf32, #tpu.memory_space<hbm>>
    tpu.enqueue_indirect_dma source(%dma_start3A_35 : memref<100000x128xf32, #tpu.memory_space<hbm>>) target(%arg14 : memref<128x128xf32, #tpu.memory_space<vmem>>) offsets(%dma_start3A_32 : memref<128xi32, #tpu.memory_space<vmem>>) semaphore(%arg18 : memref<!tpu.dma_semaphore, #tpu.memory_space<semaphore_mem>>)
    %scan3A_36 = arith.constant 0 : i32
    %scan3A_37 = arith.constant 50 : i32
    %scan3A_38 = arith.addi %scan3A_36, %scan3A_37 : i32
    %scan3A_39 = arith.constant 1 : i32
    scf.for %scan3A_41 = %scan3A_36 to %scan3A_38 step %scan3A_39  : i32 {
      %mul3A_42 = arith.constant 4 : i32
      %mul3A_43 = arith.muli %mul3A_42, %scan3A_41 : i32
      %dma_wait3A = arith.constant 0 : i32
      %dma_wait3A_44 = arith.constant 0 : i32
      %dma_wait3A_45 = tpu.memref_slice %arg2[%dma_wait3A, %dma_wait3A_44] : memref<100000x128xf32, #tpu.memory_space<hbm>> -> memref<128x128xf32, #tpu.memory_space<hbm>>
      %dma_wait3A_46 = arith.constant 0 : i32
      %dma_wait3A_47 = arith.constant 0 : i32
      %dma_wait3A_48 = tpu.memref_slice %arg2[%dma_wait3A_46, %dma_wait3A_47] : memref<100000x128xf32, #tpu.memory_space<hbm>> -> memref<128x128xf32, #tpu.memory_space<hbm>>
      tpu.wait_dma2 semaphore(%arg15 : memref<!tpu.dma_semaphore, #tpu.memory_space<semaphore_mem>>) src(%dma_wait3A_48 : memref<128x128xf32, #tpu.memory_space<hbm>>) dst(%arg11 : memref<128x128xf32, #tpu.memory_space<vmem>>)
      %add3A_49 = arith.constant 0 : i32
      %add3A_50 = arith.addi %mul3A_43, %add3A_49 : i32
      %dma_start3A_51 = arith.constant 0 : i32
      %dma_start3A_52 = tpu.memref_slice %arg9[%add3A_50, %dma_start3A_51] : memref<200x128xi32, #tpu.memory_space<vmem>> -> memref<1x128xi32, #tpu.memory_space<vmem>>
      %dma_start3A_53 = tpu.memref_squeeze %dma_start3A_52 : memref<1x128xi32, #tpu.memory_space<vmem>> -> memref<128xi32, #tpu.memory_space<vmem>>
      %dma_start3A_54 = arith.constant 0 : i32
      %dma_start3A_55 = arith.constant 0 : i32
      %dma_start3A_56 = tpu.memref_slice %arg3[%dma_start3A_54, %dma_start3A_55] : memref<13600x128xf32, #tpu.memory_space<hbm>> -> memref<13600x128xf32, #tpu.memory_space<hbm>>
      tpu.enqueue_indirect_dma source(%dma_start3A_56 : memref<13600x128xf32, #tpu.memory_space<hbm>>) target(%arg11 : memref<128x128xf32, #tpu.memory_space<vmem>>) offsets(%dma_start3A_53 : memref<128xi32, #tpu.memory_space<vmem>>) semaphore(%arg19 : memref<!tpu.dma_semaphore, #tpu.memory_space<semaphore_mem>>) {add = true}
      %dma_wait3A_57 = arith.constant 0 : i32
      %dma_wait3A_58 = arith.constant 0 : i32
      %dma_wait3A_59 = tpu.memref_slice %arg2[%dma_wait3A_57, %dma_wait3A_58] : memref<100000x128xf32, #tpu.memory_space<hbm>> -> memref<128x128xf32, #tpu.memory_space<hbm>>
      %dma_wait3A_60 = arith.constant 0 : i32
      %dma_wait3A_61 = arith.constant 0 : i32
      %dma_wait3A_62 = tpu.memref_slice %arg2[%dma_wait3A_60, %dma_wait3A_61] : memref<100000x128xf32, #tpu.memory_space<hbm>> -> memref<128x128xf32, #tpu.memory_space<hbm>>
      tpu.wait_dma2 semaphore(%arg16 : memref<!tpu.dma_semaphore, #tpu.memory_space<semaphore_mem>>) src(%dma_wait3A_62 : memref<128x128xf32, #tpu.memory_space<hbm>>) dst(%arg12 : memref<128x128xf32, #tpu.memory_space<vmem>>)
      %add3A_63 = arith.constant 1 : i32
      %add3A_64 = arith.addi %mul3A_43, %add3A_63 : i32
      %dma_start3A_65 = arith.constant 0 : i32
      %dma_start3A_66 = tpu.memref_slice %arg9[%add3A_64, %dma_start3A_65] : memref<200x128xi32, #tpu.memory_space<vmem>> -> memref<1x128xi32, #tpu.memory_space<vmem>>
      %dma_start3A_67 = tpu.memref_squeeze %dma_start3A_66 : memref<1x128xi32, #tpu.memory_space<vmem>> -> memref<128xi32, #tpu.memory_space<vmem>>
      %dma_start3A_68 = arith.constant 0 : i32
      %dma_start3A_69 = arith.constant 0 : i32
      %dma_start3A_70 = tpu.memref_slice %arg3[%dma_start3A_68, %dma_start3A_69] : memref<13600x128xf32, #tpu.memory_space<hbm>> -> memref<13600x128xf32, #tpu.memory_space<hbm>>
      tpu.enqueue_indirect_dma source(%dma_start3A_70 : memref<13600x128xf32, #tpu.memory_space<hbm>>) target(%arg12 : memref<128x128xf32, #tpu.memory_space<vmem>>) offsets(%dma_start3A_67 : memref<128xi32, #tpu.memory_space<vmem>>) semaphore(%arg20 : memref<!tpu.dma_semaphore, #tpu.memory_space<semaphore_mem>>) {add = true}
      %dma_wait3A_71 = arith.constant 0 : i32
      %dma_wait3A_72 = arith.constant 0 : i32
      %dma_wait3A_73 = tpu.memref_slice %arg2[%dma_wait3A_71, %dma_wait3A_72] : memref<100000x128xf32, #tpu.memory_space<hbm>> -> memref<128x128xf32, #tpu.memory_space<hbm>>
      %dma_wait3A_74 = arith.constant 0 : i32
      %dma_wait3A_75 = arith.constant 0 : i32
      %dma_wait3A_76 = tpu.memref_slice %arg2[%dma_wait3A_74, %dma_wait3A_75] : memref<100000x128xf32, #tpu.memory_space<hbm>> -> memref<128x128xf32, #tpu.memory_space<hbm>>
      tpu.wait_dma2 semaphore(%arg17 : memref<!tpu.dma_semaphore, #tpu.memory_space<semaphore_mem>>) src(%dma_wait3A_76 : memref<128x128xf32, #tpu.memory_space<hbm>>) dst(%arg13 : memref<128x128xf32, #tpu.memory_space<vmem>>)
      %add3A_77 = arith.constant 2 : i32
      %add3A_78 = arith.addi %mul3A_43, %add3A_77 : i32
      %dma_start3A_79 = arith.constant 0 : i32
      %dma_start3A_80 = tpu.memref_slice %arg9[%add3A_78, %dma_start3A_79] : memref<200x128xi32, #tpu.memory_space<vmem>> -> memref<1x128xi32, #tpu.memory_space<vmem>>
      %dma_start3A_81 = tpu.memref_squeeze %dma_start3A_80 : memref<1x128xi32, #tpu.memory_space<vmem>> -> memref<128xi32, #tpu.memory_space<vmem>>
      %dma_start3A_82 = arith.constant 0 : i32
      %dma_start3A_83 = arith.constant 0 : i32
      %dma_start3A_84 = tpu.memref_slice %arg3[%dma_start3A_82, %dma_start3A_83] : memref<13600x128xf32, #tpu.memory_space<hbm>> -> memref<13600x128xf32, #tpu.memory_space<hbm>>
      tpu.enqueue_indirect_dma source(%dma_start3A_84 : memref<13600x128xf32, #tpu.memory_space<hbm>>) target(%arg13 : memref<128x128xf32, #tpu.memory_space<vmem>>) offsets(%dma_start3A_81 : memref<128xi32, #tpu.memory_space<vmem>>) semaphore(%arg21 : memref<!tpu.dma_semaphore, #tpu.memory_space<semaphore_mem>>) {add = true}
      %dma_wait3A_85 = arith.constant 0 : i32
      %dma_wait3A_86 = arith.constant 0 : i32
      %dma_wait3A_87 = tpu.memref_slice %arg2[%dma_wait3A_85, %dma_wait3A_86] : memref<100000x128xf32, #tpu.memory_space<hbm>> -> memref<128x128xf32, #tpu.memory_space<hbm>>
      %dma_wait3A_88 = arith.constant 0 : i32
      %dma_wait3A_89 = arith.constant 0 : i32
      %dma_wait3A_90 = tpu.memref_slice %arg2[%dma_wait3A_88, %dma_wait3A_89] : memref<100000x128xf32, #tpu.memory_space<hbm>> -> memref<128x128xf32, #tpu.memory_space<hbm>>
      tpu.wait_dma2 semaphore(%arg18 : memref<!tpu.dma_semaphore, #tpu.memory_space<semaphore_mem>>) src(%dma_wait3A_90 : memref<128x128xf32, #tpu.memory_space<hbm>>) dst(%arg14 : memref<128x128xf32, #tpu.memory_space<vmem>>)
      %add3A_91 = arith.constant 3 : i32
      %add3A_92 = arith.addi %mul3A_43, %add3A_91 : i32
      %dma_start3A_93 = arith.constant 0 : i32
      %dma_start3A_94 = tpu.memref_slice %arg9[%add3A_92, %dma_start3A_93] : memref<200x128xi32, #tpu.memory_space<vmem>> -> memref<1x128xi32, #tpu.memory_space<vmem>>
      %dma_start3A_95 = tpu.memref_squeeze %dma_start3A_94 : memref<1x128xi32, #tpu.memory_space<vmem>> -> memref<128xi32, #tpu.memory_space<vmem>>
      %dma_start3A_96 = arith.constant 0 : i32
      %dma_start3A_97 = arith.constant 0 : i32
      %dma_start3A_98 = tpu.memref_slice %arg3[%dma_start3A_96, %dma_start3A_97] : memref<13600x128xf32, #tpu.memory_space<hbm>> -> memref<13600x128xf32, #tpu.memory_space<hbm>>
      tpu.enqueue_indirect_dma source(%dma_start3A_98 : memref<13600x128xf32, #tpu.memory_space<hbm>>) target(%arg14 : memref<128x128xf32, #tpu.memory_space<vmem>>) offsets(%dma_start3A_95 : memref<128xi32, #tpu.memory_space<vmem>>) semaphore(%arg22 : memref<!tpu.dma_semaphore, #tpu.memory_space<semaphore_mem>>) {add = true}
      %dma_wait3A_99 = arith.constant 0 : i32
      %dma_wait3A_100 = arith.constant 0 : i32
      %dma_wait3A_101 = tpu.memref_slice %arg3[%dma_wait3A_99, %dma_wait3A_100] : memref<13600x128xf32, #tpu.memory_space<hbm>> -> memref<128x128xf32, #tpu.memory_space<hbm>>
      %dma_wait3A_102 = arith.constant 0 : i32
      %dma_wait3A_103 = arith.constant 0 : i32
      %dma_wait3A_104 = tpu.memref_slice %arg3[%dma_wait3A_102, %dma_wait3A_103] : memref<13600x128xf32, #tpu.memory_space<hbm>> -> memref<128x128xf32, #tpu.memory_space<hbm>>
      tpu.wait_dma2 semaphore(%arg19 : memref<!tpu.dma_semaphore, #tpu.memory_space<semaphore_mem>>) src(%dma_wait3A_104 : memref<128x128xf32, #tpu.memory_space<hbm>>) dst(%arg11 : memref<128x128xf32, #tpu.memory_space<vmem>>)
      %add3A_105 = arith.constant 0 : i32
      %add3A_106 = arith.addi %mul3A_43, %add3A_105 : i32
      %mul3A_107 = arith.constant 128 : i32
      %mul3A_108 = arith.muli %add3A_106, %mul3A_107 : i32
      %add3A_109 = arith.addi %mul3A_4, %mul3A_108 : i32
      %dma_start3A_110 = arith.constant 0 : i32
      %dma_start3A_111 = tpu.memref_slice %arg7[%add3A_109, %dma_start3A_110] : memref<819200x128xf32, #tpu.memory_space<hbm>> -> memref<128x128xf32, #tpu.memory_space<hbm>>
      %dma_start3A_112 = arith.constant 0 : i32
      %dma_start3A_113 = tpu.memref_slice %arg7[%add3A_109, %dma_start3A_112] : memref<819200x128xf32, #tpu.memory_space<hbm>> -> memref<128x128xf32, #tpu.memory_space<hbm>>
      tpu.enqueue_dma source(%arg11 : memref<128x128xf32, #tpu.memory_space<vmem>>) target(%dma_start3A_113 : memref<128x128xf32, #tpu.memory_space<hbm>>) target_semaphore(%arg23 : memref<!tpu.dma_semaphore, #tpu.memory_space<semaphore_mem>>)
      %dma_wait3A_114 = arith.constant 0 : i32
      %dma_wait3A_115 = arith.constant 0 : i32
      %dma_wait3A_116 = tpu.memref_slice %arg3[%dma_wait3A_114, %dma_wait3A_115] : memref<13600x128xf32, #tpu.memory_space<hbm>> -> memref<128x128xf32, #tpu.memory_space<hbm>>
      %dma_wait3A_117 = arith.constant 0 : i32
      %dma_wait3A_118 = arith.constant 0 : i32
      %dma_wait3A_119 = tpu.memref_slice %arg3[%dma_wait3A_117, %dma_wait3A_118] : memref<13600x128xf32, #tpu.memory_space<hbm>> -> memref<128x128xf32, #tpu.memory_space<hbm>>
      tpu.wait_dma2 semaphore(%arg20 : memref<!tpu.dma_semaphore, #tpu.memory_space<semaphore_mem>>) src(%dma_wait3A_119 : memref<128x128xf32, #tpu.memory_space<hbm>>) dst(%arg12 : memref<128x128xf32, #tpu.memory_space<vmem>>)
      %add3A_120 = arith.constant 1 : i32
      %add3A_121 = arith.addi %mul3A_43, %add3A_120 : i32
      %mul3A_122 = arith.constant 128 : i32
      %mul3A_123 = arith.muli %add3A_121, %mul3A_122 : i32
      %add3A_124 = arith.addi %mul3A_4, %mul3A_123 : i32
      %dma_start3A_125 = arith.constant 0 : i32
      %dma_start3A_126 = tpu.memref_slice %arg7[%add3A_124, %dma_start3A_125] : memref<819200x128xf32, #tpu.memory_space<hbm>> -> memref<128x128xf32, #tpu.memory_space<hbm>>
      %dma_start3A_127 = arith.constant 0 : i32
      %dma_start3A_128 = tpu.memref_slice %arg7[%add3A_124, %dma_start3A_127] : memref<819200x128xf32, #tpu.memory_space<hbm>> -> memref<128x128xf32, #tpu.memory_space<hbm>>
      tpu.enqueue_dma source(%arg12 : memref<128x128xf32, #tpu.memory_space<vmem>>) target(%dma_start3A_128 : memref<128x128xf32, #tpu.memory_space<hbm>>) target_semaphore(%arg24 : memref<!tpu.dma_semaphore, #tpu.memory_space<semaphore_mem>>)
      %dma_wait3A_129 = arith.constant 0 : i32
      %dma_wait3A_130 = arith.constant 0 : i32
      %dma_wait3A_131 = tpu.memref_slice %arg3[%dma_wait3A_129, %dma_wait3A_130] : memref<13600x128xf32, #tpu.memory_space<hbm>> -> memref<128x128xf32, #tpu.memory_space<hbm>>
      %dma_wait3A_132 = arith.constant 0 : i32
      %dma_wait3A_133 = arith.constant 0 : i32
      %dma_wait3A_134 = tpu.memref_slice %arg3[%dma_wait3A_132, %dma_wait3A_133] : memref<13600x128xf32, #tpu.memory_space<hbm>> -> memref<128x128xf32, #tpu.memory_space<hbm>>
      tpu.wait_dma2 semaphore(%arg21 : memref<!tpu.dma_semaphore, #tpu.memory_space<semaphore_mem>>) src(%dma_wait3A_134 : memref<128x128xf32, #tpu.memory_space<hbm>>) dst(%arg13 : memref<128x128xf32, #tpu.memory_space<vmem>>)
      %add3A_135 = arith.constant 2 : i32
      %add3A_136 = arith.addi %mul3A_43, %add3A_135 : i32
      %mul3A_137 = arith.constant 128 : i32
      %mul3A_138 = arith.muli %add3A_136, %mul3A_137 : i32
      %add3A_139 = arith.addi %mul3A_4, %mul3A_138 : i32
      %dma_start3A_140 = arith.constant 0 : i32
      %dma_start3A_141 = tpu.memref_slice %arg7[%add3A_139, %dma_start3A_140] : memref<819200x128xf32, #tpu.memory_space<hbm>> -> memref<128x128xf32, #tpu.memory_space<hbm>>
      %dma_start3A_142 = arith.constant 0 : i32
      %dma_start3A_143 = tpu.memref_slice %arg7[%add3A_139, %dma_start3A_142] : memref<819200x128xf32, #tpu.memory_space<hbm>> -> memref<128x128xf32, #tpu.memory_space<hbm>>
      tpu.enqueue_dma source(%arg13 : memref<128x128xf32, #tpu.memory_space<vmem>>) target(%dma_start3A_143 : memref<128x128xf32, #tpu.memory_space<hbm>>) target_semaphore(%arg25 : memref<!tpu.dma_semaphore, #tpu.memory_space<semaphore_mem>>)
      %dma_wait3A_144 = arith.constant 0 : i32
      %dma_wait3A_145 = arith.constant 0 : i32
      %dma_wait3A_146 = tpu.memref_slice %arg3[%dma_wait3A_144, %dma_wait3A_145] : memref<13600x128xf32, #tpu.memory_space<hbm>> -> memref<128x128xf32, #tpu.memory_space<hbm>>
      %dma_wait3A_147 = arith.constant 0 : i32
      %dma_wait3A_148 = arith.constant 0 : i32
      %dma_wait3A_149 = tpu.memref_slice %arg3[%dma_wait3A_147, %dma_wait3A_148] : memref<13600x128xf32, #tpu.memory_space<hbm>> -> memref<128x128xf32, #tpu.memory_space<hbm>>
      tpu.wait_dma2 semaphore(%arg22 : memref<!tpu.dma_semaphore, #tpu.memory_space<semaphore_mem>>) src(%dma_wait3A_149 : memref<128x128xf32, #tpu.memory_space<hbm>>) dst(%arg14 : memref<128x128xf32, #tpu.memory_space<vmem>>)
      %add3A_150 = arith.constant 3 : i32
      %add3A_151 = arith.addi %mul3A_43, %add3A_150 : i32
      %mul3A_152 = arith.constant 128 : i32
      %mul3A_153 = arith.muli %add3A_151, %mul3A_152 : i32
      %add3A_154 = arith.addi %mul3A_4, %mul3A_153 : i32
      %dma_start3A_155 = arith.constant 0 : i32
      %dma_start3A_156 = tpu.memref_slice %arg7[%add3A_154, %dma_start3A_155] : memref<819200x128xf32, #tpu.memory_space<hbm>> -> memref<128x128xf32, #tpu.memory_space<hbm>>
      %dma_start3A_157 = arith.constant 0 : i32
      %dma_start3A_158 = tpu.memref_slice %arg7[%add3A_154, %dma_start3A_157] : memref<819200x128xf32, #tpu.memory_space<hbm>> -> memref<128x128xf32, #tpu.memory_space<hbm>>
      tpu.enqueue_dma source(%arg14 : memref<128x128xf32, #tpu.memory_space<vmem>>) target(%dma_start3A_158 : memref<128x128xf32, #tpu.memory_space<hbm>>) target_semaphore(%arg26 : memref<!tpu.dma_semaphore, #tpu.memory_space<semaphore_mem>>)
      %add3A_159 = arith.constant 0 : i32
      %add3A_160 = arith.addi %mul3A_43, %add3A_159 : i32
      %mul3A_161 = arith.constant 128 : i32
      %mul3A_162 = arith.muli %add3A_160, %mul3A_161 : i32
      %add3A_163 = arith.addi %mul3A_4, %mul3A_162 : i32
      %dma_wait3A_164 = arith.constant 0 : i32
      %dma_wait3A_165 = tpu.memref_slice %arg7[%add3A_163, %dma_wait3A_164] : memref<819200x128xf32, #tpu.memory_space<hbm>> -> memref<128x128xf32, #tpu.memory_space<hbm>>
      %dma_wait3A_166 = arith.constant 0 : i32
      %dma_wait3A_167 = tpu.memref_slice %arg7[%add3A_163, %dma_wait3A_166] : memref<819200x128xf32, #tpu.memory_space<hbm>> -> memref<128x128xf32, #tpu.memory_space<hbm>>
      tpu.wait_dma2 semaphore(%arg23 : memref<!tpu.dma_semaphore, #tpu.memory_space<semaphore_mem>>) src(%arg11 : memref<128x128xf32, #tpu.memory_space<vmem>>) dst(%dma_wait3A_167 : memref<128x128xf32, #tpu.memory_space<hbm>>)
      %lt3A = arith.constant 49 : i32
      %lt3A_168 = arith.cmpi slt, %scan3A_41, %lt3A : i32
      %convert_element_type3A = arith.extui %lt3A_168 : i1 to i32
      %cond3A = arith.constant 0 : i32
      %cond3A_169 = arith.cmpi ne, %convert_element_type3A, %cond3A : i32
      scf.if %cond3A_169 {
        %add3A_212 = arith.constant 0 : i32
        %add3A_213 = arith.addi %mul3A_43, %add3A_212 : i32
        %add3A_214 = arith.constant 4 : i32
        %add3A_215 = arith.addi %add3A_213, %add3A_214 : i32
        %dma_start3A_216 = arith.constant 0 : i32
        %dma_start3A_217 = tpu.memref_slice %arg8[%add3A_215, %dma_start3A_216] : memref<200x128xi32, #tpu.memory_space<vmem>> -> memref<1x128xi32, #tpu.memory_space<vmem>>
        %dma_start3A_218 = tpu.memref_squeeze %dma_start3A_217 : memref<1x128xi32, #tpu.memory_space<vmem>> -> memref<128xi32, #tpu.memory_space<vmem>>
        %dma_start3A_219 = arith.constant 0 : i32
        %dma_start3A_220 = arith.constant 0 : i32
        %dma_start3A_221 = tpu.memref_slice %arg2[%dma_start3A_219, %dma_start3A_220] : memref<100000x128xf32, #tpu.memory_space<hbm>> -> memref<100000x128xf32, #tpu.memory_space<hbm>>
        tpu.enqueue_indirect_dma source(%dma_start3A_221 : memref<100000x128xf32, #tpu.memory_space<hbm>>) target(%arg11 : memref<128x128xf32, #tpu.memory_space<vmem>>) offsets(%dma_start3A_218 : memref<128xi32, #tpu.memory_space<vmem>>) semaphore(%arg15 : memref<!tpu.dma_semaphore, #tpu.memory_space<semaphore_mem>>)
      } else {
      }
      %add3A_170 = arith.constant 1 : i32
      %add3A_171 = arith.addi %mul3A_43, %add3A_170 : i32
      %mul3A_172 = arith.constant 128 : i32
      %mul3A_173 = arith.muli %add3A_171, %mul3A_172 : i32
      %add3A_174 = arith.addi %mul3A_4, %mul3A_173 : i32
      %dma_wait3A_175 = arith.constant 0 : i32
      %dma_wait3A_176 = tpu.memref_slice %arg7[%add3A_174, %dma_wait3A_175] : memref<819200x128xf32, #tpu.memory_space<hbm>> -> memref<128x128xf32, #tpu.memory_space<hbm>>
      %dma_wait3A_177 = arith.constant 0 : i32
      %dma_wait3A_178 = tpu.memref_slice %arg7[%add3A_174, %dma_wait3A_177] : memref<819200x128xf32, #tpu.memory_space<hbm>> -> memref<128x128xf32, #tpu.memory_space<hbm>>
      tpu.wait_dma2 semaphore(%arg24 : memref<!tpu.dma_semaphore, #tpu.memory_space<semaphore_mem>>) src(%arg12 : memref<128x128xf32, #tpu.memory_space<vmem>>) dst(%dma_wait3A_178 : memref<128x128xf32, #tpu.memory_space<hbm>>)
      %lt3A_179 = arith.constant 49 : i32
      %lt3A_180 = arith.cmpi slt, %scan3A_41, %lt3A_179 : i32
      %convert_element_type3A_181 = arith.extui %lt3A_180 : i1 to i32
      %cond3A_182 = arith.constant 0 : i32
      %cond3A_183 = arith.cmpi ne, %convert_element_type3A_181, %cond3A_182 : i32
      scf.if %cond3A_183 {
        %add3A_212 = arith.constant 1 : i32
        %add3A_213 = arith.addi %mul3A_43, %add3A_212 : i32
        %add3A_214 = arith.constant 4 : i32
        %add3A_215 = arith.addi %add3A_213, %add3A_214 : i32
        %dma_start3A_216 = arith.constant 0 : i32
        %dma_start3A_217 = tpu.memref_slice %arg8[%add3A_215, %dma_start3A_216] : memref<200x128xi32, #tpu.memory_space<vmem>> -> memref<1x128xi32, #tpu.memory_space<vmem>>
        %dma_start3A_218 = tpu.memref_squeeze %dma_start3A_217 : memref<1x128xi32, #tpu.memory_space<vmem>> -> memref<128xi32, #tpu.memory_space<vmem>>
        %dma_start3A_219 = arith.constant 0 : i32
        %dma_start3A_220 = arith.constant 0 : i32
        %dma_start3A_221 = tpu.memref_slice %arg2[%dma_start3A_219, %dma_start3A_220] : memref<100000x128xf32, #tpu.memory_space<hbm>> -> memref<100000x128xf32, #tpu.memory_space<hbm>>
        tpu.enqueue_indirect_dma source(%dma_start3A_221 : memref<100000x128xf32, #tpu.memory_space<hbm>>) target(%arg12 : memref<128x128xf32, #tpu.memory_space<vmem>>) offsets(%dma_start3A_218 : memref<128xi32, #tpu.memory_space<vmem>>) semaphore(%arg16 : memref<!tpu.dma_semaphore, #tpu.memory_space<semaphore_mem>>)
      } else {
      }
      %add3A_184 = arith.constant 2 : i32
      %add3A_185 = arith.addi %mul3A_43, %add3A_184 : i32
      %mul3A_186 = arith.constant 128 : i32
      %mul3A_187 = arith.muli %add3A_185, %mul3A_186 : i32
      %add3A_188 = arith.addi %mul3A_4, %mul3A_187 : i32
      %dma_wait3A_189 = arith.constant 0 : i32
      %dma_wait3A_190 = tpu.memref_slice %arg7[%add3A_188, %dma_wait3A_189] : memref<819200x128xf32, #tpu.memory_space<hbm>> -> memref<128x128xf32, #tpu.memory_space<hbm>>
      %dma_wait3A_191 = arith.constant 0 : i32
      %dma_wait3A_192 = tpu.memref_slice %arg7[%add3A_188, %dma_wait3A_191] : memref<819200x128xf32, #tpu.memory_space<hbm>> -> memref<128x128xf32, #tpu.memory_space<hbm>>
      tpu.wait_dma2 semaphore(%arg25 : memref<!tpu.dma_semaphore, #tpu.memory_space<semaphore_mem>>) src(%arg13 : memref<128x128xf32, #tpu.memory_space<vmem>>) dst(%dma_wait3A_192 : memref<128x128xf32, #tpu.memory_space<hbm>>)
      %lt3A_193 = arith.constant 49 : i32
      %lt3A_194 = arith.cmpi slt, %scan3A_41, %lt3A_193 : i32
      %convert_element_type3A_195 = arith.extui %lt3A_194 : i1 to i32
      %cond3A_196 = arith.constant 0 : i32
      %cond3A_197 = arith.cmpi ne, %convert_element_type3A_195, %cond3A_196 : i32
      scf.if %cond3A_197 {
        %add3A_212 = arith.constant 2 : i32
        %add3A_213 = arith.addi %mul3A_43, %add3A_212 : i32
        %add3A_214 = arith.constant 4 : i32
        %add3A_215 = arith.addi %add3A_213, %add3A_214 : i32
        %dma_start3A_216 = arith.constant 0 : i32
        %dma_start3A_217 = tpu.memref_slice %arg8[%add3A_215, %dma_start3A_216] : memref<200x128xi32, #tpu.memory_space<vmem>> -> memref<1x128xi32, #tpu.memory_space<vmem>>
        %dma_start3A_218 = tpu.memref_squeeze %dma_start3A_217 : memref<1x128xi32, #tpu.memory_space<vmem>> -> memref<128xi32, #tpu.memory_space<vmem>>
        %dma_start3A_219 = arith.constant 0 : i32
        %dma_start3A_220 = arith.constant 0 : i32
        %dma_start3A_221 = tpu.memref_slice %arg2[%dma_start3A_219, %dma_start3A_220] : memref<100000x128xf32, #tpu.memory_space<hbm>> -> memref<100000x128xf32, #tpu.memory_space<hbm>>
        tpu.enqueue_indirect_dma source(%dma_start3A_221 : memref<100000x128xf32, #tpu.memory_space<hbm>>) target(%arg13 : memref<128x128xf32, #tpu.memory_space<vmem>>) offsets(%dma_start3A_218 : memref<128xi32, #tpu.memory_space<vmem>>) semaphore(%arg17 : memref<!tpu.dma_semaphore, #tpu.memory_space<semaphore_mem>>)
      } else {
      }
      %add3A_198 = arith.constant 3 : i32
      %add3A_199 = arith.addi %mul3A_43, %add3A_198 : i32
      %mul3A_200 = arith.constant 128 : i32
      %mul3A_201 = arith.muli %add3A_199, %mul3A_200 : i32
      %add3A_202 = arith.addi %mul3A_4, %mul3A_201 : i32
      %dma_wait3A_203 = arith.constant 0 : i32
      %dma_wait3A_204 = tpu.memref_slice %arg7[%add3A_202, %dma_wait3A_203] : memref<819200x128xf32, #tpu.memory_space<hbm>> -> memref<128x128xf32, #tpu.memory_space<hbm>>
      %dma_wait3A_205 = arith.constant 0 : i32
      %dma_wait3A_206 = tpu.memref_slice %arg7[%add3A_202, %dma_wait3A_205] : memref<819200x128xf32, #tpu.memory_space<hbm>> -> memref<128x128xf32, #tpu.memory_space<hbm>>
      tpu.wait_dma2 semaphore(%arg26 : memref<!tpu.dma_semaphore, #tpu.memory_space<semaphore_mem>>) src(%arg14 : memref<128x128xf32, #tpu.memory_space<vmem>>) dst(%dma_wait3A_206 : memref<128x128xf32, #tpu.memory_space<hbm>>)
      %lt3A_207 = arith.constant 49 : i32
      %lt3A_208 = arith.cmpi slt, %scan3A_41, %lt3A_207 : i32
      %convert_element_type3A_209 = arith.extui %lt3A_208 : i1 to i32
      %cond3A_210 = arith.constant 0 : i32
      %cond3A_211 = arith.cmpi ne, %convert_element_type3A_209, %cond3A_210 : i32
      scf.if %cond3A_211 {
        %add3A_212 = arith.constant 3 : i32
        %add3A_213 = arith.addi %mul3A_43, %add3A_212 : i32
        %add3A_214 = arith.constant 4 : i32
        %add3A_215 = arith.addi %add3A_213, %add3A_214 : i32
        %dma_start3A_216 = arith.constant 0 : i32
        %dma_start3A_217 = tpu.memref_slice %arg8[%add3A_215, %dma_start3A_216] : memref<200x128xi32, #tpu.memory_space<vmem>> -> memref<1x128xi32, #tpu.memory_space<vmem>>
        %dma_start3A_218 = tpu.memref_squeeze %dma_start3A_217 : memref<1x128xi32, #tpu.memory_space<vmem>> -> memref<128xi32, #tpu.memory_space<vmem>>
        %dma_start3A_219 = arith.constant 0 : i32
        %dma_start3A_220 = arith.constant 0 : i32
        %dma_start3A_221 = tpu.memref_slice %arg2[%dma_start3A_219, %dma_start3A_220] : memref<100000x128xf32, #tpu.memory_space<hbm>> -> memref<100000x128xf32, #tpu.memory_space<hbm>>
        tpu.enqueue_indirect_dma source(%dma_start3A_221 : memref<100000x128xf32, #tpu.memory_space<hbm>>) target(%arg14 : memref<128x128xf32, #tpu.memory_space<vmem>>) offsets(%dma_start3A_218 : memref<128xi32, #tpu.memory_space<vmem>>) semaphore(%arg18 : memref<!tpu.dma_semaphore, #tpu.memory_space<semaphore_mem>>)
      } else {
      }
    }
    %scan3A_40 = arith.constant 50 : i32
    return
  }
}

</mosaic_0001>

<sc_bundles>
// kernel: kernel.3.cloned.1.call-start
scs
__scs_entry_jumppad:
0x0: {  	(pc) =	sbr.rel $0x88, $3  }
0x1: {  	(tag) =	ssettag $0x0;
	lr =	simm.s32 $0x1  }
0x2: {  	[smem:$0x3F9B] =	sst lr;
	_ =	strace $0xD0000000  }
0x3: {  	_ = 	snop  }
0x4: {  	_ = 	snop  }
0x5: {  	_ = 	snop  }
0x6: {  	_ = 	snop  }
0x7: {  	_ = 	snop  }
__scs_overlays_trampoline_lowered:
0x8: {  	[smem:$0x3FAA] =	sst s0  }
0x9: {  	[smem:$0x3FAB] =	sst s1  }
0xa: {  	[smem:$0x3FAC] =	sst s2  }
0xb: {  	[smem:$0x3FAD] =	sst s3  }
0xc: {  	[smem:$0x3FAE] =	sst s4  }
0xd: {  	[smem:$0x3FAF] =	sst s5  }
0xe: {  	[smem:$0x3FB0] =	sst s6  }
0xf: {  	[smem:$0x3FB1] =	sst s7  }
0x10: {  	[smem:$0x3FB2] =	sst s8  }
0x11: {  	[smem:$0x3FB3] =	sst s9;
	s0 =	simm.s32 @!p0 $0x0  }
0x12: {  	s1 =	sld [smem:$0x3F99];
	s0 =	simm.s32 @p0 $0x1  }
0x13: {  	[smem:$0x3FB4] =	sst s0;
	s0 =	simm.s32 @!p1 $0x0  }
0x14: {  	s2 =	sld [smem:$0x3F98];
	s0 =	simm.s32 @p1 $0x1  }
0x15: {  	[smem:$0x3FB5] =	sst s0;
	s0 =	simm.s32 @!p2 $0x0  }
0x16: {  	s3 =	sld [smem:$0x3FDB];
	s0 =	simm.s32 @p2 $0x1  }
0x17: {  	s4 =	simm.s32 $0x1BF5;
	[smem:$0x3FB7] =	sst s0  }
0x18: {  	s0 =	sld [smem:$0x3F9A];
	_ =	swait.ge [sflag:s4], $0x0  }
0x19: {  	s7 =	sld [smem:$0x3F9B]  }
0x1a: {  	s8 =	sadd.s32 $0xFFFFE003, lr  }
0x1b: {  	s9 =	sadd.s32 $0xFFFFFEF7, lr;
	s5 =	simm.s32 $0xFFFFFFFF;
	p2 =	slt.u32 s8, $0xFFFFF086  }
0x1c: {  	p1 =	slt.u32 s9, $0xF7A;
	s5 =	simm.s32 @!p2 $0x0  }
0x1d: {  	s5 =	simm.s32 @p1 $0x1;
	p0 =	seq.s32 s7, s2  }
0x1e: {  	s7 =	smul.u32 @!p0 $0xF7A, s2;
	p2 =	seq.s32 @!p0 s5, $0x0  }
0x1f: {  	s9 =	smul.u32 $0xF7A, s1;
	s8 =	simm.s32 @!p0 $0x1BF5;
	p2 =	por !p2, p0  }
0x20: {  	[sflag:s8] =	ssyncset.s32 @!p0 $0xFFFFF086;
	s6 =	sadd.s32 @!p0 s3, s7;
	s7 =	simm.s32 @!p0 $0x108  }
0x21: {  	s3 =	sadd.s32 s3, s9;
	s6 =	sadd.s32 @!p0 $0x88, s6;
	s7 =	simm.s32 @p2 $0x1082  }
0x22: {  	[simem:s7], [sflag:s8] =	dma.local @!p0 [hbm:s6], $0xF7A  }
0x23: {  	s9 =	sor.u32 $0xD0000000, s2;
	s6 =	simm.s32 $0x108;
	_ =	swait.ge @!p0 [sflag:s8], $0x0  }
0x24: {  	s3 =	sadd.s32 $0x88, s3;
	s6 =	simm.s32 @!p1 $0x1082;
	[sflag:s4] =	ssyncset.s32 $0xFFFFF086  }
0x25: {  	[simem:s6], [sflag:s4] =	dma.local [hbm:s3], $0xF7A  }
0x26: {  	[smem:$0x3F9B] =	sst s1;
	(tag) =	ssettag s2;
	_ =	strace s9  }
0x27: {  	s1 =	sld [smem:$0x3FAB]  }
0x28: {  	s2 =	sld [smem:$0x3FAC]  }
0x29: {  	s4 =	sld [smem:$0x3FAE]  }
0x2a: {  	p0 =	seq.s32 s5, $0x0;
	s5 =	sld [smem:$0x3FAF]  }
0x2b: {  	s6 =	sld [smem:$0x3FB0]  }
0x2c: {  	s7 =	sld [smem:$0x3FB1]  }
0x2d: {  	s3 =	simm.s32 $0x108;
	s8 =	sld [smem:$0x3FB2]  }
0x2e: {  	s3 =	simm.s32 @!p0 $0x1082;
	s9 =	sld [smem:$0x3FB3]  }
0x2f: {  	lr =	sadd.s32 s0, s3;
	s0 =	sld [smem:$0x3FAA]  }
0x30: {  	s3 =	sld [smem:$0x3FAD]  }
0x31: {  	[smem:$0x3FB6] =	sst s10  }
0x32: {  	s10 =	sld [smem:$0x3FB4];
	_ =	sdelay $0x3  }
0x33: {  	p0 =	seq.s32 s10, $0x1;
	s10 =	sld [smem:$0x3FB6];
	_ =	sdelay $0x3  }
0x34: {  	[smem:$0x3FB6] =	sst s10  }
0x35: {  	s10 =	sld [smem:$0x3FB5];
	_ =	sdelay $0x3  }
0x36: {  	p1 =	seq.s32 s10, $0x1;
	s10 =	sld [smem:$0x3FB6];
	_ =	sdelay $0x3  }
0x37: {  	[smem:$0x3FB6] =	sst s10  }
0x38: {  	s10 =	sld [smem:$0x3FB7]  }
0x39: {  	_ = 	snop;
	(pc) =	sbr.ind lr, $3  }
0x3a: {  	_ = 	snop  }
0x3b: {  	_ = 	snop  }
0x3c: {  	p2 =	seq.s32 s10, $0x1;
	s10 =	sld [smem:$0x3FB6]  }
0x3d: {  	_ =	shalt  }
0x3e: {  	_ =	shalt  }
0x3f: {  	_ =	shalt  }
0x40: {  	_ =	shalt  }
0x41: {  	_ =	shalt  }
0x42: {  	_ =	shalt  }
0x43: {  	_ =	shalt  }
0x44: {  	_ =	shalt  }
0x45: {  	_ =	shalt  }
0x46: {  	_ =	shalt  }
0x47: {  	_ =	shalt  }
0x48: {  	_ =	shalt  }
0x49: {  	_ =	shalt  }
0x4a: {  	_ =	shalt  }
0x4b: {  	_ =	shalt  }
0x4c: {  	_ =	shalt  }
0x4d: {  	_ =	shalt  }
0x4e: {  	_ =	shalt  }
0x4f: {  	_ =	shalt  }
0x50: {  	_ =	shalt  }
0x51: {  	_ =	shalt  }
0x52: {  	_ =	shalt  }
0x53: {  	_ =	shalt  }
0x54: {  	_ =	shalt  }
0x55: {  	_ =	shalt  }
0x56: {  	_ =	shalt  }
0x57: {  	_ =	shalt  }
0x58: {  	_ =	shalt  }
0x59: {  	_ =	shalt  }
0x5a: {  	_ =	shalt  }
0x5b: {  	_ =	shalt  }
0x5c: {  	_ =	shalt  }
0x5d: {  	_ =	shalt  }
0x5e: {  	_ =	shalt  }
0x5f: {  	_ =	shalt  }
0x60: {  	_ =	shalt  }
0x61: {  	_ =	shalt  }
0x62: {  	_ =	shalt  }
0x63: {  	_ =	shalt  }
0x64: {  	_ =	shalt  }
0x65: {  	_ =	shalt  }
0x66: {  	_ =	shalt  }
0x67: {  	_ =	shalt  }
0x68: {  	_ =	shalt  }
0x69: {  	_ =	shalt  }
0x6a: {  	_ =	shalt  }
0x6b: {  	_ =	shalt  }
0x6c: {  	_ =	shalt  }
0x6d: {  	_ =	shalt  }
0x6e: {  	_ =	shalt  }
0x6f: {  	_ =	shalt  }
0x70: {  	_ =	shalt  }
0x71: {  	_ =	shalt  }
0x72: {  	_ =	shalt  }
0x73: {  	_ =	shalt  }
0x74: {  	_ =	shalt  }
0x75: {  	_ =	shalt  }
0x76: {  	_ =	shalt  }
0x77: {  	_ =	shalt  }
0x78: {  	_ =	shalt  }
0x79: {  	_ =	shalt  }
0x7a: {  	_ =	shalt  }
0x7b: {  	_ =	shalt  }
0x7c: {  	_ =	shalt  }
0x7d: {  	_ =	shalt  }
0x7e: {  	_ =	shalt  }
0x7f: {  	_ =	shalt  }
0x80: {  	_ =	shalt  }
0x81: {  	_ =	shalt  }
0x82: {  	_ =	shalt  }
0x83: {  	_ =	shalt  }
0x84: {  	_ =	shalt  }
0x85: {  	_ =	shalt  }
0x86: {  	_ =	shalt  }
0x87: {  	_ =	shalt  }
.Lfunc_end0:
.L_simem_size_0:
called_computation_lowered:
.L_overlay_start_0:
0x88: {  	s2 =	sld [smem:$0x3FD9]  }
0x89: {  	s3 =	sld [smem:$0x3FFE];
	_ =	sdelay $0x1  }
0x8a: {  	s1 =	srdreg.scid  }
0x8b: {  	s0 =	sand.u32 $0x1, s1  }
0x8c: {  	s17 =	sshll.u32 s0, $0xA;
	s2 =	sadd.s32 s3, s2  }
0x8d: {  	s2 =	sadd.s32 s2, s17  }
0x8e: {  	[smem:$0x3FC2] =	sst s2  }
0x8f: {  	_ = 	snop  }
0x90: {  	s2 =	sld [smem:$0x3FD0];
	(tm) =	ssettm $0x1  }
0x91: {  	s18 =	sld [smem:$0x3FFB];
	_ =	sdelay $0x3  }
0x92: {  	_ =	strace s18  }
0x93: {  	s3 =	sld [smem:$0x3FFC];
	_ =	sdelay $0x3  }
0x94: {  	_ =	strace s3  }
0x95: {  	s3 =	sld [smem:$0x3FFD];
	_ =	sdelay $0x3  }
0x96: {  	_ =	strace s3  }
0x97: {  	_ =	strace $0x8FFFFFFF  }
0x98: {  	s19 =	sld [smem:$0x3FDB];
	_ =	sdelay $0x1  }
0x99: {  	s4 =	simm.s32 $_scs_section_size  }
0x9a: {  	s5 =	simm.s32 $_size__tile_overlayer_lowered;
	s6 =	simm.s32 $_tile_overlayer_lowered  }
0x9b: {  	s22 =	simm.s32 $0x1BFF;
	s21 =	sshll.u32 s6, $0x1;
	s3 =	sadd.s32 s4, s19  }
0x9c: {  	s7 =	simm.s32 $0x0;
	s20 =	sshll.u32 s5, $0x1;
	s5 =	sadd.s32 s21, s3  }
0x9d: {  	[timem:s7], [sflag:s22] =	dma.local [hbm:s5], s20  }
0x9e: {  	_ =	swait.ge [sflag:s22], s20  }
0x9f: {  	s4 =	ssub.s32 $0x0, s20;
	[sflag:s22] =	ssyncset.done $0x0  }
0xa0: {  	[sflag:s22] =	ssyncadd.s32 s4;
	_ =	sdelay $0x1  }
0xa1: {  	s23 =	simm.s32 $0x1B8B  }
0xa2: {  	_ =	swait.ge [sflag:s23], $0x1  }
0xa3: {  	[sflag:s23] =	ssyncset.done $0x0  }
0xa4: {  	s25 =	simm.s32 $0x1B8E;
	s24 =	sld [smem:$0x3FFE];
	[sflag:s23] =	ssyncadd.s32 $0xFFFFFFFF  }
0xa5: {  	s26 =	simm.s32 $execute0_lowered;
	[smem:$0x3FD2] =	sst s25  }
0xa6: {  	s5 =	sshll.u32 s26, $0x1;
	_ =	strace $0x80000046;
	[dreg:$0x1] =	wrdreg $0xFFFFFFFF  }
0xa7: {  	s28 =	simm.s32 $_size_execute0_lowered;
	s3 =	sadd.s32 s3, s5;
	[dreg:$0x0] =	wrdreg $0x0  }
0xa8: {  	s5 =	sshll.u32 s28, $0x1;
	[dreg:$0x2] =	wrdreg s3  }
0xa9: {  	[dreg:$0x3] =	wrdreg s5  }
0xaa: {  	[dreg:$0x4] =	wrdreg $0xC0  }
0xab: {  	_ =	task [dreg:s7], $0x5FFFF  }
0xac: {  	[dreg:$0x1] =	wrdreg $0xFFFFFFFF  }
0xad: {  	[dreg:$0x0] =	wrdreg $0x60  }
0xae: {  	[dreg:$0x2] =	wrdreg s24  }
0xaf: {  	[dreg:$0x3] =	wrdreg s2  }
0xb0: {  	[dreg:$0x4] =	wrdreg $0x9  }
0xb1: {  	_ =	task.clear_ibuf [dreg:s7], $0x5FFFF;
	_ =	strace $0x90000046  }
0xb2: {  	s29 =	simm.s32 $0x9;
	_ =	strace $0x80000048  }
0xb3: {  	_ =	swait.ge [sflag:s29], $0x1  }
0xb4: {  	[sflag:s29] =	ssyncadd.s32 $0xFFFFFFFF  }
0xb5: {  	_ =	strace $0x90000048  }
0xb6: {  	_ =	sfence  }
0xb7: {  	s30 =	sld [smem:$0x0];
	_ =	sdelay $0x2  }
0xb8: {  	s31 =	sshll.u32 s1, $0xD;
	s1 =	sshrl.u32 s1, $0x2  }
0xb9: {  	s3 =	sand.u32 $0x4000, s31;
	s1 =	sadd.s32 s1, s30  }
0xba: {  	s0 =	sor.u32 s3, s0;
	s1 =	sshll.u32 s1, $0x11  }
0xbb: {  	s0 =	sor.u32 s1, s0  }
0xbc: {  	s0 =	sadd.s32 $0x8F2B, s0  }
0xbd: {  	[sflag:s0] =	ssyncadd.remote.s32 $0x1  }
0xbe: {  	_ =	sfence.sel $0xFFFF  }
0xbf: {  	[dreg:$0x0] =	wrdreg $0xFFFFFFFF;
	(pc) =	sbr.abs _section_cstart, $3  }
0xc0: {  	[dreg:$0x1] =	wrdreg $0xFFFFFFFF  }
0xc1: {  	_ =	task.clear_ibuf [dreg:s7], $0x2FFFF;
	_ =	strace $0x9FFFFFFF  }
0xc2: {  	(tm) =	ssettm $0x7FFFFFFF  }
0xc3: {  	_ =	shalt  }
tec
execute0_lowered:
.L_overlay_start_1:
0x0: {  	(tag) =	ssettag $0x1  }
0x1: {  	s0 =	rddreg [dreg:$0x0];
	s1 =	srdreg.scid  }
0x2: {  	s12 =	stileid.u32;
	s5 =	rddreg [dreg:$0x1];
	s2 =	simm.s32 $0x0  }
0x3: {  	s13 =	simm.s32 $0xC800;
	s14 =	simm.s32 $0x80;
	s15 =	simm.s32 $0xCC00  }
0x4: {  	s16 =	simm.s32 $0x10C00;
	s18 =	simm.s32 $0x14C00;
	s20 =	simm.s32 $0x18C00  }
0x5: {  	s28 =	simm.s32 $0x7;
	s29 =	simm.s32 $0x8;
	s7 =	smul.u32 $0x1900, s12  }
0x6: {  	s30 =	simm.s32 $0x9;
	s31 =	simm.s32 $0xA;
	s11 =	smul.u32 $0x640000, s12  }
0x7: {  	s1 =	sand.u32 $0x1, s1;
	s3 =	sshll.u32 s12, $0x1;
	s24 =	smul.u32 $0xC8000, s12  }
0x8: {  	[smem:$0x7FF] =	sst s2;
	s4 =	sadd.s32 $0x1D2600, s0;
	s9 =	smul.u32 $0xC80, s1  }
0x9: {  	s12 =	simm.s32 $0x0;
	s3 =	sor.u32 s1, s3;
	s22 =	smul.u32 $0x320000, s1  }
0xa: {  	_ =	strace $0x80000047;
	s8 =	ssub.s32 $0x2, s1;
	s1 =	smul.u32 $0x64000, s1  }
0xb: {  	s6 =	smul.u32 $0xC80, s3;
	s3 =	sadd.s32 $0x4BC00, s0;
	s10 =	sshrl.u32 s8, $0x1  }
0xc: {  	s21 =	ssub.s32 s8, s10;
	s8 =	sadd.s32 s22, s11;
	s11 =	simm.s32 $0xD  }
0xd: {  	s22 =	simm.s32 $0x2;
	s6 =	sadd.s32 s6, s0;
	s0 =	sadd.s32 s7, s0  }
0xe: {  	s7 =	smax.u32 s21, $0x1;
	s25 =	sshrl.u32 s8, $0x3;
	s21 =	simm.s32 $0x1  }
0xf: {  	s23 =	sadd.s32 $0xC00, s6;
	s6 =	sadd.s32 $0x19C00, s6;
	[dreg:$0x5] =	wrdreg s7  }
.Ltmp0:
0x10: {  	s0 =	sadd.s32 s9, s0;
	[dreg:$0x3] =	wrdreg s23;
	(pc) =	sbr.rel .LBB2_1-.Ltmp0, $4  }
0x11: {  	[dreg:$0x4] =	wrdreg s6;
	s6 =	sadd.s32 s24, s5;
	s8 =	sadd.s32 $0x32C00, s0  }
0x12: {  	s5 =	sadd.s32 s25, s5;
	s23 =	simm.s32 $0x3;
	s24 =	simm.s32 $0x4  }
0x13: {  	s25 =	simm.s32 $0x5;
	s0 =	simm.s32 $0xC;
	s26 =	sadd.s32 s1, s6  }
0x14: {  	s1 =	simm.s32 $0xB;
	s10 =	sadd.s32 $0x1800, s26;
	s26 =	simm.s32 $0x6  }
.LBB2_6:
0x15: {  	_ =	swait.ge [sflag:s31], $0x4000  }
0x16: {  	[sflag:s31] =	ssyncset.done $0x0  }
0x17: {  	[sflag:s31] =	ssyncadd.s32 $0xFFFFC000  }
0x18: {  	_ =	swait.ge [sflag:s1], $0x4000  }
0x19: {  	[sflag:s1] =	ssyncset.done $0x0  }
0x1a: {  	[sflag:s1] =	ssyncadd.s32 $0xFFFFC000  }
0x1b: {  	_ =	swait.ge [sflag:s0], $0x4000  }
0x1c: {  	s12 =	sadd.s32 $0x1, s12;
	s6 =	rddreg [dreg:$0x5]  }
0x1d: {  	p0 =	sne.s32 s12, s6  }
.Ltmp1:
0x1e: {  	_ = 	snop;
	(pc) =	sbr.rel @!p0 .LBB2_7-.Ltmp1, $3  }
0x1f: {  	_ =	sdelay $0x1  }
0x20: {  	[sflag:s0] =	ssyncset.done $0x0  }
0x21: {  	[sflag:s0] =	ssyncadd.s32 $0xFFFFC000  }
.LBB2_1:
0x22: {  	s6 =	rddreg [dreg:$0x3]  }
0x23: {  	[tilespmem:s2], [sflag:$0xD] =	stream.linear.gather [hbm4b:s6+s2], $0x6400, $0x38;
	[tilespmem:$0x1CC00] =	vst v63  }
0x24: {  	_ =	swait.ge [sflag:s11], $0x6400  }
0x25: {  	[sflag:s11] =	ssyncset.done $0x0  }
0x26: {  	s7 =	simm.s32 $0x6400;
	s19 =	rddreg [dreg:$0x4];
	[sflag:s11] =	ssyncadd.s32 $0xFFFF9C00  }
0x27: {  	[tilespmem:s7], [sflag:$0xD] =	stream.linear.gather [hbm4b:s19+s2], $0x6400, $0x38;
	[tilespmem:$0x1CC00] =	vst v63  }
0x28: {  	_ =	swait.ge [sflag:s11], $0x6400  }
0x29: {  	[sflag:s11] =	ssyncset.done $0x0  }
0x2a: {  	s17 =	simm.s32 $0x6600;
	s19 =	simm.s32 $0x0;
	[sflag:s11] =	ssyncadd.s32 $0xFFFF9C00  }
.LBB2_2:
0x2b: {  	s6 =	sadd.s32 s19, s8  }
0x2c: {  	[tilespmem:s13], [sflag:$0xD] =	stream.linear.gather [hbm4b:s6+s2], $0x400, $0x38;
	[tilespmem:$0x1CC00] =	vst v63  }
0x2d: {  	_ =	swait.ge [sflag:s11], $0x400  }
0x2e: {  	[sflag:s11] =	ssyncset.done $0x0  }
0x2f: {  	[sflag:s11] =	ssyncadd.s32 $0xFFFFFC00  }
0x30: {  	v0 =	vld [tilespmem:s17+$0xFFFFFE00];
	_ =	sdelay $0x1  }
0x31: {  	v1 =	vld [tilespmem:$0xC800];
	_ =	sdelay $0x2  }
0x32: {  	v0 =	vmul.u32 $0x44, v0;
	_ =	sdelay $0x1  }
0x33: {  	v58 =	vld [tilespmem:s17+$0xFFFFFE10];
	v0 =	vadd.s32 v1, v0  }
0x34: {  	[tilespmem:s17+$0xFFFFFE00] =	vst v0  }
0x35: {  	v59 =	vld [tilespmem:$0xC810];
	_ =	sdelay $0x2  }
0x36: {  	v0 =	vmul.u32 $0x44, v58;
	_ =	sdelay $0x1  }
0x37: {  	v60 =	vld [tilespmem:s17+$0xFFFFFE20];
	v0 =	vadd.s32 v59, v0  }
0x38: {  	[tilespmem:s17+$0xFFFFFE10] =	vst v0  }
0x39: {  	v61 =	vld [tilespmem:$0xC820];
	_ =	sdelay $0x2  }
0x3a: {  	v0 =	vmul.u32 $0x44, v60;
	_ =	sdelay $0x1  }
0x3b: {  	v62 =	vld [tilespmem:s17+$0xFFFFFE30];
	v0 =	vadd.s32 v61, v0  }
0x3c: {  	[tilespmem:s17+$0xFFFFFE20] =	vst v0  }
0x3d: {  	v63 =	vld [tilespmem:$0xC830];
	_ =	sdelay $0x2  }
0x3e: {  	v0 =	vmul.u32 $0x44, v62;
	_ =	sdelay $0x1  }
0x3f: {  	v4 =	vld [tilespmem:s17+$0xFFFFFE40];
	v0 =	vadd.s32 v63, v0  }
0x40: {  	[tilespmem:s17+$0xFFFFFE30] =	vst v0  }
0x41: {  	v5 =	vld [tilespmem:$0xC840];
	_ =	sdelay $0x2  }
0x42: {  	v0 =	vmul.u32 $0x44, v4;
	_ =	sdelay $0x1  }
0x43: {  	v6 =	vld [tilespmem:s17+$0xFFFFFE50];
	v0 =	vadd.s32 v5, v0  }
0x44: {  	[tilespmem:s17+$0xFFFFFE40] =	vst v0  }
0x45: {  	v7 =	vld [tilespmem:$0xC850];
	_ =	sdelay $0x2  }
0x46: {  	v0 =	vmul.u32 $0x44, v6;
	_ =	sdelay $0x1  }
0x47: {  	v8 =	vld [tilespmem:s17+$0xFFFFFE60];
	v0 =	vadd.s32 v7, v0  }
0x48: {  	[tilespmem:s17+$0xFFFFFE50] =	vst v0  }
0x49: {  	v9 =	vld [tilespmem:$0xC860];
	_ =	sdelay $0x2  }
0x4a: {  	v0 =	vmul.u32 $0x44, v8;
	_ =	sdelay $0x1  }
0x4b: {  	v10 =	vld [tilespmem:s17+$0xFFFFFE70];
	v0 =	vadd.s32 v9, v0  }
0x4c: {  	[tilespmem:s17+$0xFFFFFE60] =	vst v0  }
0x4d: {  	v11 =	vld [tilespmem:$0xC870];
	_ =	sdelay $0x2  }
0x4e: {  	v0 =	vmul.u32 $0x44, v10;
	_ =	sdelay $0x1  }
0x4f: {  	v12 =	vld [tilespmem:s17+$0xFFFFFE80];
	v0 =	vadd.s32 v11, v0  }
0x50: {  	[tilespmem:s17+$0xFFFFFE70] =	vst v0  }
0x51: {  	v13 =	vld [tilespmem:$0xC880];
	_ =	sdelay $0x2  }
0x52: {  	v0 =	vmul.u32 $0x44, v12;
	_ =	sdelay $0x1  }
0x53: {  	v14 =	vld [tilespmem:s17+$0xFFFFFE90];
	v0 =	vadd.s32 v13, v0  }
0x54: {  	[tilespmem:s17+$0xFFFFFE80] =	vst v0  }
0x55: {  	v15 =	vld [tilespmem:$0xC890];
	_ =	sdelay $0x2  }
0x56: {  	v0 =	vmul.u32 $0x44, v14;
	_ =	sdelay $0x1  }
0x57: {  	v16 =	vld [tilespmem:s17+$0xFFFFFEA0];
	v0 =	vadd.s32 v15, v0  }
0x58: {  	[tilespmem:s17+$0xFFFFFE90] =	vst v0  }
0x59: {  	v17 =	vld [tilespmem:$0xC8A0];
	_ =	sdelay $0x2  }
0x5a: {  	v0 =	vmul.u32 $0x44, v16;
	_ =	sdelay $0x1  }
0x5b: {  	v18 =	vld [tilespmem:s17+$0xFFFFFEB0];
	v0 =	vadd.s32 v17, v0  }
0x5c: {  	[tilespmem:s17+$0xFFFFFEA0] =	vst v0  }
0x5d: {  	v19 =	vld [tilespmem:$0xC8B0];
	_ =	sdelay $0x2  }
0x5e: {  	v0 =	vmul.u32 $0x44, v18;
	_ =	sdelay $0x1  }
0x5f: {  	v20 =	vld [tilespmem:s17+$0xFFFFFEC0];
	v0 =	vadd.s32 v19, v0  }
0x60: {  	[tilespmem:s17+$0xFFFFFEB0] =	vst v0  }
0x61: {  	v21 =	vld [tilespmem:$0xC8C0];
	_ =	sdelay $0x2  }
0x62: {  	v0 =	vmul.u32 $0x44, v20;
	_ =	sdelay $0x1  }
0x63: {  	v22 =	vld [tilespmem:s17+$0xFFFFFED0];
	v0 =	vadd.s32 v21, v0  }
0x64: {  	[tilespmem:s17+$0xFFFFFEC0] =	vst v0  }
0x65: {  	v23 =	vld [tilespmem:$0xC8D0];
	_ =	sdelay $0x2  }
0x66: {  	v0 =	vmul.u32 $0x44, v22;
	_ =	sdelay $0x1  }
0x67: {  	v24 =	vld [tilespmem:s17+$0xFFFFFEE0];
	v0 =	vadd.s32 v23, v0  }
0x68: {  	[tilespmem:s17+$0xFFFFFED0] =	vst v0  }
0x69: {  	v25 =	vld [tilespmem:$0xC8E0];
	_ =	sdelay $0x2  }
0x6a: {  	v0 =	vmul.u32 $0x44, v24;
	_ =	sdelay $0x1  }
0x6b: {  	v26 =	vld [tilespmem:s17+$0xFFFFFEF0];
	v0 =	vadd.s32 v25, v0  }
0x6c: {  	[tilespmem:s17+$0xFFFFFEE0] =	vst v0  }
0x6d: {  	v27 =	vld [tilespmem:$0xC8F0];
	_ =	sdelay $0x2  }
0x6e: {  	v0 =	vmul.u32 $0x44, v26;
	_ =	sdelay $0x1  }
0x6f: {  	v28 =	vld [tilespmem:s17+$0xFFFFFF00];
	v0 =	vadd.s32 v27, v0  }
0x70: {  	[tilespmem:s17+$0xFFFFFEF0] =	vst v0  }
0x71: {  	v29 =	vld [tilespmem:$0xC900];
	_ =	sdelay $0x2  }
0x72: {  	v0 =	vmul.u32 $0x44, v28;
	_ =	sdelay $0x1  }
0x73: {  	v30 =	vld [tilespmem:s17+$0xFFFFFF10];
	v0 =	vadd.s32 v29, v0  }
0x74: {  	[tilespmem:s17+$0xFFFFFF00] =	vst v0  }
0x75: {  	v31 =	vld [tilespmem:$0xC910];
	_ =	sdelay $0x2  }
0x76: {  	v0 =	vmul.u32 $0x44, v30;
	_ =	sdelay $0x1  }
0x77: {  	v32 =	vld [tilespmem:s17+$0xFFFFFF20];
	v0 =	vadd.s32 v31, v0  }
0x78: {  	[tilespmem:s17+$0xFFFFFF10] =	vst v0  }
0x79: {  	v33 =	vld [tilespmem:$0xC920];
	_ =	sdelay $0x2  }
0x7a: {  	v0 =	vmul.u32 $0x44, v32;
	_ =	sdelay $0x1  }
0x7b: {  	v34 =	vld [tilespmem:s17+$0xFFFFFF30];
	v0 =	vadd.s32 v33, v0  }
0x7c: {  	[tilespmem:s17+$0xFFFFFF20] =	vst v0  }
0x7d: {  	v35 =	vld [tilespmem:$0xC930];
	_ =	sdelay $0x2  }
0x7e: {  	v0 =	vmul.u32 $0x44, v34;
	_ =	sdelay $0x1  }
0x7f: {  	v36 =	vld [tilespmem:s17+$0xFFFFFF40];
	v0 =	vadd.s32 v35, v0  }
0x80: {  	[tilespmem:s17+$0xFFFFFF30] =	vst v0  }
0x81: {  	v37 =	vld [tilespmem:$0xC940];
	_ =	sdelay $0x2  }
0x82: {  	v0 =	vmul.u32 $0x44, v36;
	_ =	sdelay $0x1  }
0x83: {  	v38 =	vld [tilespmem:s17+$0xFFFFFF50];
	v0 =	vadd.s32 v37, v0  }
0x84: {  	[tilespmem:s17+$0xFFFFFF40] =	vst v0  }
0x85: {  	v39 =	vld [tilespmem:$0xC950];
	_ =	sdelay $0x2  }
0x86: {  	v0 =	vmul.u32 $0x44, v38;
	_ =	sdelay $0x1  }
0x87: {  	v40 =	vld [tilespmem:s17+$0xFFFFFF60];
	v0 =	vadd.s32 v39, v0  }
0x88: {  	[tilespmem:s17+$0xFFFFFF50] =	vst v0  }
0x89: {  	v41 =	vld [tilespmem:$0xC960];
	_ =	sdelay $0x2  }
0x8a: {  	v0 =	vmul.u32 $0x44, v40;
	_ =	sdelay $0x1  }
0x8b: {  	v42 =	vld [tilespmem:s17+$0xFFFFFF70];
	v0 =	vadd.s32 v41, v0  }
0x8c: {  	[tilespmem:s17+$0xFFFFFF60] =	vst v0  }
0x8d: {  	v43 =	vld [tilespmem:$0xC970];
	_ =	sdelay $0x2  }
0x8e: {  	v0 =	vmul.u32 $0x44, v42;
	_ =	sdelay $0x1  }
0x8f: {  	v44 =	vld [tilespmem:s17+$0xFFFFFF80];
	v0 =	vadd.s32 v43, v0  }
0x90: {  	[tilespmem:s17+$0xFFFFFF70] =	vst v0  }
0x91: {  	v45 =	vld [tilespmem:$0xC980];
	_ =	sdelay $0x2  }
0x92: {  	v0 =	vmul.u32 $0x44, v44;
	_ =	sdelay $0x1  }
0x93: {  	v46 =	vld [tilespmem:s17+$0xFFFFFF90];
	v0 =	vadd.s32 v45, v0  }
0x94: {  	[tilespmem:s17+$0xFFFFFF80] =	vst v0  }
0x95: {  	v47 =	vld [tilespmem:$0xC990];
	_ =	sdelay $0x2  }
0x96: {  	v0 =	vmul.u32 $0x44, v46;
	_ =	sdelay $0x1  }
0x97: {  	v48 =	vld [tilespmem:s17+$0xFFFFFFA0];
	v0 =	vadd.s32 v47, v0  }
0x98: {  	[tilespmem:s17+$0xFFFFFF90] =	vst v0  }
0x99: {  	v49 =	vld [tilespmem:$0xC9A0];
	_ =	sdelay $0x2  }
0x9a: {  	v0 =	vmul.u32 $0x44, v48;
	_ =	sdelay $0x1  }
0x9b: {  	v50 =	vld [tilespmem:s17+$0xFFFFFFB0];
	v0 =	vadd.s32 v49, v0  }
0x9c: {  	[tilespmem:s17+$0xFFFFFFA0] =	vst v0  }
0x9d: {  	v51 =	vld [tilespmem:$0xC9B0];
	_ =	sdelay $0x2  }
0x9e: {  	v0 =	vmul.u32 $0x44, v50;
	_ =	sdelay $0x1  }
0x9f: {  	v52 =	vld [tilespmem:s17+$0xFFFFFFC0];
	v0 =	vadd.s32 v51, v0  }
0xa0: {  	[tilespmem:s17+$0xFFFFFFB0] =	vst v0  }
0xa1: {  	v53 =	vld [tilespmem:$0xC9C0];
	_ =	sdelay $0x2  }
0xa2: {  	v0 =	vmul.u32 $0x44, v52;
	_ =	sdelay $0x1  }
0xa3: {  	v54 =	vld [tilespmem:s17+$0xFFFFFFD0];
	v0 =	vadd.s32 v53, v0  }
0xa4: {  	[tilespmem:s17+$0xFFFFFFC0] =	vst v0  }
0xa5: {  	v55 =	vld [tilespmem:$0xC9D0];
	_ =	sdelay $0x2  }
0xa6: {  	v0 =	vmul.u32 $0x44, v54;
	_ =	sdelay $0x1  }
0xa7: {  	v56 =	vld [tilespmem:s17+$0xFFFFFFE0];
	v0 =	vadd.s32 v55, v0  }
0xa8: {  	[tilespmem:s17+$0xFFFFFFD0] =	vst v0  }
0xa9: {  	v57 =	vld [tilespmem:$0xC9E0];
	_ =	sdelay $0x2  }
0xaa: {  	v0 =	vmul.u32 $0x44, v56;
	_ =	sdelay $0x1  }
0xab: {  	v58 =	vld [tilespmem:s17+$0xFFFFFFF0];
	v0 =	vadd.s32 v57, v0  }
0xac: {  	[tilespmem:s17+$0xFFFFFFE0] =	vst v0  }
0xad: {  	v59 =	vld [tilespmem:$0xC9F0];
	_ =	sdelay $0x2  }
0xae: {  	v0 =	vmul.u32 $0x44, v58;
	_ =	sdelay $0x1  }
0xaf: {  	v60 =	vld [tilespmem:s17+$0x0];
	v0 =	vadd.s32 v59, v0  }
0xb0: {  	[tilespmem:s17+$0xFFFFFFF0] =	vst v0  }
0xb1: {  	v61 =	vld [tilespmem:$0xCA00];
	_ =	sdelay $0x2  }
0xb2: {  	v0 =	vmul.u32 $0x44, v60;
	_ =	sdelay $0x1  }
0xb3: {  	v62 =	vld [tilespmem:s17+$0x10];
	v0 =	vadd.s32 v61, v0  }
0xb4: {  	[tilespmem:s17+$0x0] =	vst v0  }
0xb5: {  	v63 =	vld [tilespmem:$0xCA10];
	_ =	sdelay $0x2  }
0xb6: {  	v0 =	vmul.u32 $0x44, v62;
	_ =	sdelay $0x1  }
0xb7: {  	v4 =	vld [tilespmem:s17+$0x20];
	v0 =	vadd.s32 v63, v0  }
0xb8: {  	[tilespmem:s17+$0x10] =	vst v0  }
0xb9: {  	v5 =	vld [tilespmem:$0xCA20];
	_ =	sdelay $0x2  }
0xba: {  	v0 =	vmul.u32 $0x44, v4;
	_ =	sdelay $0x1  }
0xbb: {  	v6 =	vld [tilespmem:s17+$0x30];
	v0 =	vadd.s32 v5, v0  }
0xbc: {  	[tilespmem:s17+$0x20] =	vst v0  }
0xbd: {  	v7 =	vld [tilespmem:$0xCA30];
	_ =	sdelay $0x2  }
0xbe: {  	v0 =	vmul.u32 $0x44, v6;
	_ =	sdelay $0x1  }
0xbf: {  	v8 =	vld [tilespmem:s17+$0x40];
	v0 =	vadd.s32 v7, v0  }
0xc0: {  	[tilespmem:s17+$0x30] =	vst v0  }
0xc1: {  	v9 =	vld [tilespmem:$0xCA40];
	_ =	sdelay $0x2  }
0xc2: {  	v0 =	vmul.u32 $0x44, v8;
	_ =	sdelay $0x1  }
0xc3: {  	v10 =	vld [tilespmem:s17+$0x50];
	v0 =	vadd.s32 v9, v0  }
0xc4: {  	[tilespmem:s17+$0x40] =	vst v0  }
0xc5: {  	v11 =	vld [tilespmem:$0xCA50];
	_ =	sdelay $0x2  }
0xc6: {  	v0 =	vmul.u32 $0x44, v10;
	_ =	sdelay $0x1  }
0xc7: {  	v12 =	vld [tilespmem:s17+$0x60];
	v0 =	vadd.s32 v11, v0  }
0xc8: {  	[tilespmem:s17+$0x50] =	vst v0  }
0xc9: {  	v13 =	vld [tilespmem:$0xCA60];
	_ =	sdelay $0x2  }
0xca: {  	v0 =	vmul.u32 $0x44, v12;
	_ =	sdelay $0x1  }
0xcb: {  	v14 =	vld [tilespmem:s17+$0x70];
	v0 =	vadd.s32 v13, v0  }
0xcc: {  	[tilespmem:s17+$0x60] =	vst v0  }
0xcd: {  	v15 =	vld [tilespmem:$0xCA70];
	_ =	sdelay $0x2  }
0xce: {  	v0 =	vmul.u32 $0x44, v14;
	_ =	sdelay $0x1  }
0xcf: {  	v16 =	vld [tilespmem:s17+$0x80];
	v0 =	vadd.s32 v15, v0  }
0xd0: {  	[tilespmem:s17+$0x70] =	vst v0  }
0xd1: {  	v17 =	vld [tilespmem:$0xCA80];
	_ =	sdelay $0x2  }
0xd2: {  	v0 =	vmul.u32 $0x44, v16;
	_ =	sdelay $0x1  }
0xd3: {  	v18 =	vld [tilespmem:s17+$0x90];
	v0 =	vadd.s32 v17, v0  }
0xd4: {  	[tilespmem:s17+$0x80] =	vst v0  }
0xd5: {  	v19 =	vld [tilespmem:$0xCA90];
	_ =	sdelay $0x2  }
0xd6: {  	v0 =	vmul.u32 $0x44, v18;
	_ =	sdelay $0x1  }
0xd7: {  	v20 =	vld [tilespmem:s17+$0xA0];
	v0 =	vadd.s32 v19, v0  }
0xd8: {  	[tilespmem:s17+$0x90] =	vst v0  }
0xd9: {  	v21 =	vld [tilespmem:$0xCAA0];
	_ =	sdelay $0x2  }
0xda: {  	v0 =	vmul.u32 $0x44, v20;
	_ =	sdelay $0x1  }
0xdb: {  	v22 =	vld [tilespmem:s17+$0xB0];
	v0 =	vadd.s32 v21, v0  }
0xdc: {  	[tilespmem:s17+$0xA0] =	vst v0  }
0xdd: {  	v23 =	vld [tilespmem:$0xCAB0];
	_ =	sdelay $0x2  }
0xde: {  	v0 =	vmul.u32 $0x44, v22;
	_ =	sdelay $0x1  }
0xdf: {  	v24 =	vld [tilespmem:s17+$0xC0];
	v0 =	vadd.s32 v23, v0  }
0xe0: {  	[tilespmem:s17+$0xB0] =	vst v0  }
0xe1: {  	v25 =	vld [tilespmem:$0xCAC0];
	_ =	sdelay $0x2  }
0xe2: {  	v0 =	vmul.u32 $0x44, v24;
	_ =	sdelay $0x1  }
0xe3: {  	v26 =	vld [tilespmem:s17+$0xD0];
	v0 =	vadd.s32 v25, v0  }
0xe4: {  	[tilespmem:s17+$0xC0] =	vst v0  }
0xe5: {  	v27 =	vld [tilespmem:$0xCAD0];
	_ =	sdelay $0x2  }
0xe6: {  	v0 =	vmul.u32 $0x44, v26;
	_ =	sdelay $0x1  }
0xe7: {  	v28 =	vld [tilespmem:s17+$0xE0];
	v0 =	vadd.s32 v27, v0  }
0xe8: {  	[tilespmem:s17+$0xD0] =	vst v0  }
0xe9: {  	v29 =	vld [tilespmem:$0xCAE0];
	_ =	sdelay $0x2  }
0xea: {  	v0 =	vmul.u32 $0x44, v28;
	_ =	sdelay $0x1  }
0xeb: {  	v30 =	vld [tilespmem:s17+$0xF0];
	v0 =	vadd.s32 v29, v0  }
0xec: {  	[tilespmem:s17+$0xE0] =	vst v0  }
0xed: {  	v31 =	vld [tilespmem:$0xCAF0];
	_ =	sdelay $0x2  }
0xee: {  	v0 =	vmul.u32 $0x44, v30;
	_ =	sdelay $0x1  }
0xef: {  	v32 =	vld [tilespmem:s17+$0x100];
	v0 =	vadd.s32 v31, v0  }
0xf0: {  	[tilespmem:s17+$0xF0] =	vst v0  }
0xf1: {  	v33 =	vld [tilespmem:$0xCB00];
	_ =	sdelay $0x2  }
0xf2: {  	v0 =	vmul.u32 $0x44, v32;
	_ =	sdelay $0x1  }
0xf3: {  	v34 =	vld [tilespmem:s17+$0x110];
	v0 =	vadd.s32 v33, v0  }
0xf4: {  	[tilespmem:s17+$0x100] =	vst v0  }
0xf5: {  	v35 =	vld [tilespmem:$0xCB10];
	_ =	sdelay $0x2  }
0xf6: {  	v0 =	vmul.u32 $0x44, v34;
	_ =	sdelay $0x1  }
0xf7: {  	v36 =	vld [tilespmem:s17+$0x120];
	v0 =	vadd.s32 v35, v0  }
0xf8: {  	[tilespmem:s17+$0x110] =	vst v0  }
0xf9: {  	v37 =	vld [tilespmem:$0xCB20];
	_ =	sdelay $0x2  }
0xfa: {  	v0 =	vmul.u32 $0x44, v36;
	_ =	sdelay $0x1  }
0xfb: {  	v38 =	vld [tilespmem:s17+$0x130];
	v0 =	vadd.s32 v37, v0  }
0xfc: {  	[tilespmem:s17+$0x120] =	vst v0  }
0xfd: {  	v39 =	vld [tilespmem:$0xCB30];
	_ =	sdelay $0x2  }
0xfe: {  	v0 =	vmul.u32 $0x44, v38;
	_ =	sdelay $0x1  }
0xff: {  	v40 =	vld [tilespmem:s17+$0x140];
	v0 =	vadd.s32 v39, v0  }
0x100: {  	[tilespmem:s17+$0x130] =	vst v0  }
0x101: {  	v41 =	vld [tilespmem:$0xCB40];
	_ =	sdelay $0x2  }
0x102: {  	v0 =	vmul.u32 $0x44, v40;
	_ =	sdelay $0x1  }
0x103: {  	v42 =	vld [tilespmem:s17+$0x150];
	v0 =	vadd.s32 v41, v0  }
0x104: {  	[tilespmem:s17+$0x140] =	vst v0  }
0x105: {  	v43 =	vld [tilespmem:$0xCB50];
	_ =	sdelay $0x2  }
0x106: {  	v0 =	vmul.u32 $0x44, v42;
	_ =	sdelay $0x1  }
0x107: {  	v44 =	vld [tilespmem:s17+$0x160];
	v0 =	vadd.s32 v43, v0  }
0x108: {  	[tilespmem:s17+$0x150] =	vst v0  }
0x109: {  	v45 =	vld [tilespmem:$0xCB60];
	_ =	sdelay $0x2  }
0x10a: {  	v0 =	vmul.u32 $0x44, v44;
	_ =	sdelay $0x1  }
0x10b: {  	v46 =	vld [tilespmem:s17+$0x170];
	v0 =	vadd.s32 v45, v0  }
0x10c: {  	[tilespmem:s17+$0x160] =	vst v0  }
0x10d: {  	v47 =	vld [tilespmem:$0xCB70];
	_ =	sdelay $0x2  }
0x10e: {  	v0 =	vmul.u32 $0x44, v46;
	_ =	sdelay $0x1  }
0x10f: {  	v48 =	vld [tilespmem:s17+$0x180];
	v0 =	vadd.s32 v47, v0  }
0x110: {  	[tilespmem:s17+$0x170] =	vst v0  }
0x111: {  	v49 =	vld [tilespmem:$0xCB80];
	_ =	sdelay $0x2  }
0x112: {  	v0 =	vmul.u32 $0x44, v48;
	_ =	sdelay $0x1  }
0x113: {  	v50 =	vld [tilespmem:s17+$0x190];
	v0 =	vadd.s32 v49, v0  }
0x114: {  	[tilespmem:s17+$0x180] =	vst v0  }
0x115: {  	v51 =	vld [tilespmem:$0xCB90];
	_ =	sdelay $0x2  }
0x116: {  	v0 =	vmul.u32 $0x44, v50;
	_ =	sdelay $0x1  }
0x117: {  	v52 =	vld [tilespmem:s17+$0x1A0];
	v0 =	vadd.s32 v51, v0  }
0x118: {  	[tilespmem:s17+$0x190] =	vst v0  }
0x119: {  	v53 =	vld [tilespmem:$0xCBA0];
	_ =	sdelay $0x2  }
0x11a: {  	v0 =	vmul.u32 $0x44, v52;
	_ =	sdelay $0x1  }
0x11b: {  	v54 =	vld [tilespmem:s17+$0x1B0];
	v0 =	vadd.s32 v53, v0  }
0x11c: {  	[tilespmem:s17+$0x1A0] =	vst v0  }
0x11d: {  	v55 =	vld [tilespmem:$0xCBB0];
	_ =	sdelay $0x2  }
0x11e: {  	v0 =	vmul.u32 $0x44, v54;
	_ =	sdelay $0x1  }
0x11f: {  	v56 =	vld [tilespmem:s17+$0x1C0];
	v0 =	vadd.s32 v55, v0  }
0x120: {  	[tilespmem:s17+$0x1B0] =	vst v0  }
0x121: {  	v57 =	vld [tilespmem:$0xCBC0];
	_ =	sdelay $0x2  }
0x122: {  	v0 =	vmul.u32 $0x44, v56;
	_ =	sdelay $0x1  }
0x123: {  	v58 =	vld [tilespmem:s17+$0x1D0];
	v0 =	vadd.s32 v57, v0  }
0x124: {  	[tilespmem:s17+$0x1C0] =	vst v0  }
0x125: {  	v59 =	vld [tilespmem:$0xCBD0];
	_ =	sdelay $0x2  }
0x126: {  	v0 =	vmul.u32 $0x44, v58;
	_ =	sdelay $0x1  }
0x127: {  	v60 =	vld [tilespmem:s17+$0x1E0];
	v0 =	vadd.s32 v59, v0  }
0x128: {  	[tilespmem:s17+$0x1D0] =	vst v0  }
0x129: {  	v61 =	vld [tilespmem:$0xCBE0];
	_ =	sdelay $0x2  }
0x12a: {  	v0 =	vmul.u32 $0x44, v60;
	_ =	sdelay $0x1  }
0x12b: {  	v62 =	vld [tilespmem:s17+$0x1F0];
	v0 =	vadd.s32 v61, v0  }
0x12c: {  	[tilespmem:s17+$0x1E0] =	vst v0  }
0x12d: {  	v63 =	vld [tilespmem:$0xCBF0]  }
0x12e: {  	p0 =	sne.s32 s19, $0xC00  }
.Ltmp2:
0x12f: {  	_ = 	snop;
	(pc) =	sbr.rel @p0 .LBB2_2-.Ltmp2, $3  }
0x130: {  	v0 =	vmul.u32 $0x44, v62;
	_ =	sdelay $0x1  }
0x131: {  	v0 =	vadd.s32 v63, v0  }
0x132: {  	s19 =	sadd.s32 $0x80, s19;
	[tilespmem:s17+$0x1F0] =	vst v0;
	s17 =	sadd.s32 $0x400, s17  }
0x133: {  	s17 =	simm.s32 $0x0  }
0x134: {  	[tilespmem:s15], [sflag:$0x1] =	stream.indirect.gather [hbm4b:s3+s14], $0x80, s17, s14, $0xb8;
	[tilespmem:$0x1CC00] =	vst v63  }
0x135: {  	_ = 	snop  }
0x136: {  	[tilespmem:s16], [sflag:$0x2] =	stream.indirect.gather [hbm4b:s3+s14], $0x80, s14, s14, $0xb8;
	[tilespmem:$0x1CC00] =	vst v63  }
0x137: {  	s6 =	simm.s32 $0x100  }
0x138: {  	[tilespmem:s18], [sflag:$0x3] =	stream.indirect.gather [hbm4b:s3+s14], $0x80, s6, s14, $0xb8;
	[tilespmem:$0x1CC00] =	vst v63  }
0x139: {  	s19 =	simm.s32 $0x180  }
0x13a: {  	[tilespmem:s20], [sflag:$0x4] =	stream.indirect.gather [hbm4b:s3+s14], $0x80, s19, s14, $0xb8;
	[tilespmem:$0x1CC00] =	vst v63  }
0x13b: {  	s9 =	smov.u32 s5;
	s19 =	smov.u32 s10  }
.LBB2_4:
0x13c: {  	_ =	swait.ge [sflag:s21], $0x4000  }
0x13d: {  	s6 =	sshra.s32 s17, $0x2;
	[sflag:s21] =	ssyncset.done $0x0  }
0x13e: {  	s7 =	sadd.s32 $0x6400, s6;
	[sflag:s21] =	ssyncadd.s32 $0xFFFFC000  }
0x13f: {  	[tilespmem:s15], [sflag:$0x5] =	stream.indirect.gather.add.f32 [hbm:s4], $0x80, s7, s14, $0xb8;
	[tilespmem:$0x1CC00] =	vst v63  }
0x140: {  	_ =	swait.ge [sflag:s22], $0x4000  }
0x141: {  	[sflag:s22] =	ssyncset.done $0x0  }
0x142: {  	s7 =	sadd.s32 $0x6480, s6;
	[sflag:s22] =	ssyncadd.s32 $0xFFFFC000  }
0x143: {  	[tilespmem:s16], [sflag:$0x6] =	stream.indirect.gather.add.f32 [hbm:s4], $0x80, s7, s14, $0xb8;
	[tilespmem:$0x1CC00] =	vst v63  }
0x144: {  	_ =	swait.ge [sflag:s23], $0x4000  }
0x145: {  	[sflag:s23] =	ssyncset.done $0x0  }
0x146: {  	s7 =	sadd.s32 $0x6500, s6;
	[sflag:s23] =	ssyncadd.s32 $0xFFFFC000  }
0x147: {  	[tilespmem:s18], [sflag:$0x7] =	stream.indirect.gather.add.f32 [hbm:s4], $0x80, s7, s14, $0xb8;
	[tilespmem:$0x1CC00] =	vst v63  }
0x148: {  	_ =	swait.ge [sflag:s24], $0x4000  }
0x149: {  	[sflag:s24] =	ssyncset.done $0x0  }
0x14a: {  	s7 =	sadd.s32 $0x6580, s6;
	[sflag:s24] =	ssyncadd.s32 $0xFFFFC000  }
0x14b: {  	[tilespmem:s20], [sflag:$0x8] =	stream.indirect.gather.add.f32 [hbm:s4], $0x80, s7, s14, $0xb8;
	[tilespmem:$0x1CC00] =	vst v63  }
0x14c: {  	_ =	swait.ge [sflag:s25], $0x4000  }
0x14d: {  	[sflag:s25] =	ssyncset.done $0x0  }
0x14e: {  	[sflag:s25] =	ssyncadd.s32 $0xFFFFC000  }
0x14f: {  	[hbm4b:s9+s2] =	stream.linear.scatter [tilespmem:s15], [sflag:$0x9], $0x4000, $0x38;
	[tilespmem:$0x1CC00] =	vst v63  }
0x150: {  	_ =	swait.ge [sflag:s26], $0x4000  }
0x151: {  	[sflag:s26] =	ssyncset.done $0x0  }
0x152: {  	s7 =	sadd.s32 $0xFFFFF000, s19;
	[sflag:s26] =	ssyncadd.s32 $0xFFFFC000  }
0x153: {  	[hbm4b:s7+s2] =	stream.linear.scatter [tilespmem:s16], [sflag:$0xA], $0x4000, $0x38;
	[tilespmem:$0x1CC00] =	vst v63  }
0x154: {  	_ =	swait.ge [sflag:s28], $0x4000  }
0x155: {  	[sflag:s28] =	ssyncset.done $0x0  }
0x156: {  	s7 =	sadd.s32 $0xFFFFF800, s19;
	[sflag:s28] =	ssyncadd.s32 $0xFFFFC000  }
0x157: {  	[hbm4b:s7+s2] =	stream.linear.scatter [tilespmem:s18], [sflag:$0xB], $0x4000, $0x38;
	[tilespmem:$0x1CC00] =	vst v63  }
0x158: {  	_ =	swait.ge [sflag:s29], $0x4000  }
0x159: {  	p0 =	seq.s32 s17, $0x18800;
	[sflag:s29] =	ssyncset.done $0x0  }
.Ltmp3:
0x15a: {  	[sflag:s29] =	ssyncadd.s32 $0xFFFFC000;
	(pc) =	sbr.rel @p0 .LBB2_6-.Ltmp3, $4  }
0x15b: {  	[hbm4b:s19+s2] =	stream.linear.scatter [tilespmem:s20], [sflag:$0xC], $0x4000, $0x38;
	[tilespmem:$0x1CC00] =	vst v63  }
0x15c: {  	_ =	swait.ge [sflag:s30], $0x4000  }
0x15d: {  	[sflag:s30] =	ssyncset.done $0x0  }
0x15e: {  	[sflag:s30] =	ssyncadd.s32 $0xFFFFC000  }
0x15f: {  	s7 =	sadd.s32 $0x200, s6  }
0x160: {  	[tilespmem:s15], [sflag:$0x1] =	stream.indirect.gather [hbm4b:s3+s14], $0x80, s7, s14, $0xb8;
	[tilespmem:$0x1CC00] =	vst v63  }
0x161: {  	_ =	swait.ge [sflag:s31], $0x4000  }
0x162: {  	[sflag:s31] =	ssyncset.done $0x0  }
0x163: {  	s7 =	sadd.s32 $0x280, s6;
	[sflag:s31] =	ssyncadd.s32 $0xFFFFC000  }
0x164: {  	[tilespmem:s16], [sflag:$0x2] =	stream.indirect.gather [hbm4b:s3+s14], $0x80, s7, s14, $0xb8;
	[tilespmem:$0x1CC00] =	vst v63  }
0x165: {  	_ =	swait.ge [sflag:s1], $0x4000  }
0x166: {  	[sflag:s1] =	ssyncset.done $0x0  }
0x167: {  	s7 =	sadd.s32 $0x300, s6;
	[sflag:s1] =	ssyncadd.s32 $0xFFFFC000  }
0x168: {  	[tilespmem:s18], [sflag:$0x3] =	stream.indirect.gather [hbm4b:s3+s14], $0x80, s7, s14, $0xb8;
	[tilespmem:$0x1CC00] =	vst v63  }
.Ltmp4:
0x169: {  	_ = 	snop;
	(pc) =	sbr.rel .LBB2_4-.Ltmp4, $4  }
0x16a: {  	_ =	swait.ge [sflag:s0], $0x4000  }
0x16b: {  	s9 =	sadd.s32 $0x2000, s9;
	s17 =	sadd.s32 $0x800, s17;
	[sflag:s0] =	ssyncset.done $0x0  }
0x16c: {  	s19 =	sadd.s32 $0x2000, s19;
	s7 =	sadd.s32 $0x380, s6;
	[sflag:s0] =	ssyncadd.s32 $0xFFFFC000  }
0x16d: {  	[tilespmem:s20], [sflag:$0x4] =	stream.indirect.gather [hbm4b:s3+s14], $0x80, s7, s14, $0xb8;
	[tilespmem:$0x1CC00] =	vst v63  }
.LBB2_7:
0x16e: {  	_ =	sfence.sel $0x180000  }
0x16f: {  	[bflag:$0x0] =	sbarrier.arrive $0xFFFF  }
0x170: {  	_ =	strace $0x90000047  }
0x171: {  	s0 =	stileid.u32;
	[bflag:$0x2] =	sbarrier.arrive $0xFFFF  }
0x172: {  	p0 =	sne.s32 s0, $0x0;
	s0 =	rddreg [dreg:$0x2]  }
0x173: {  	s0 =	sadd.s32 @!p0 $0x100000, s0  }
0x174: {  	[sflag:s0] =	ssyncadd.tile.s32 @!p0 $0x1;
	_ =	shalt  }
.Lfunc_end2:
_tile_overlayer_lowered:
.L_overlay_start_2:
0x175: {  	(tag) =	ssettag $0x2  }
0x176: {  	s0 =	rddreg [dreg:$0x0];
	s2 =	stileid.u32  }
0x177: {  	s1 =	rddreg [dreg:$0x1];
	p0 =	sne.s32 s2, $0x0  }
0x178: {  	s3 =	rddreg [dreg:$0x2];
	[bflag:$0x3] =	sbarrier.arrive $0xFFFF;
	s2 =	simm.s32 @!p0 $0x1C0D  }
0x179: {  	[timem:s3], [sflag:s2] =	dma.local @!p0 [hbm:s0], s1  }
0x17a: {  	s0 =	simm.s32 @!p0 $0xD  }
0x17b: {  	_ =	swait.ge @!p0 [sflag:s0], s1  }
0x17c: {  	s1 =	ssub.s32 @!p0 $0x0, s1;
	[sflag:s0] =	ssyncset.done @!p0 $0x0  }
0x17d: {  	[sflag:s0] =	ssyncadd.s32 @!p0 s1  }
0x17e: {  	[bflag:$0x3] =	sbarrier.arrive $0xFFFF  }
0x17f: {  	_ =	shalt  }

</sc_bundles>
